<compile_context>
chip_gen: v7x
topology: tpu7x:2x2x1
jax: 0.10.2.dev20260603
libtpu: 0.0.44.dev20260713+nightly
codegen_flags: <defaults>
</compile_context>

<pallas_src>
import functools

import jax
import jax.numpy as jnp
import numpy as np
from jax.experimental import pallas as pl
from jax.experimental.pallas import tpu as pltpu
from jax.experimental.pallas import tpu_sc as plsc

B, N, M, C, H, K = 4, 2048, 4096, 256, 8, 8
RADIUS = 0.2
DH = C // H
FF = 4 * C
KP = K + 1
BN = B * N
BM = B * M


def _proj_kv_body(kvf_ref, kvx_ref, wk_ref, wv_ref, wpk_ref, ck_ref, bv_ref,
                  kout_ref, vout_ref):
    kvf = kvf_ref[...]
    kvx = kvx_ref[...]
    kout_ref[...] = (jnp.dot(kvf, wk_ref[...], preferred_element_type=jnp.float32)
                     + jnp.dot(kvx, wpk_ref[...], preferred_element_type=jnp.float32)
                     + ck_ref[...])
    vout_ref[...] = (jnp.dot(kvf, wv_ref[...], preferred_element_type=jnp.float32)
                     + bv_ref[...])


def _proj_kv(kvf2, kvx2, Wk, Wv, Wpk, ck, bv, interpret=False):
    T = 2048
    grid = (BM // T,)
    return pl.pallas_call(
        _proj_kv_body,
        grid=grid,
        in_specs=[
            pl.BlockSpec((T, C), lambda i: (i, 0)),
            pl.BlockSpec((T, 3), lambda i: (i, 0)),
            pl.BlockSpec((C, C), lambda i: (0, 0)),
            pl.BlockSpec((C, C), lambda i: (0, 0)),
            pl.BlockSpec((3, C), lambda i: (0, 0)),
            pl.BlockSpec((1, C), lambda i: (0, 0)),
            pl.BlockSpec((1, C), lambda i: (0, 0)),
        ],
        out_specs=[
            pl.BlockSpec((T, C), lambda i: (i, 0)),
            pl.BlockSpec((T, C), lambda i: (i, 0)),
        ],
        out_shape=[
            jax.ShapeDtypeStruct((BM, C), jnp.float32),
            jax.ShapeDtypeStruct((BM, C), jnp.float32),
        ],
        interpret=interpret,
    )(kvf2, kvx2, Wk, Wv, Wpk, ck, bv)



_TN = 256


def _topk_body(qx_ref, kxt_ref, idx_ref, valid_ref):
    b = pl.program_id(0)
    qx = qx_ref[0]
    kxt = kxt_ref[0]
    qn = jnp.sum(qx * qx, axis=1, keepdims=True)
    kn = jnp.sum(kxt * kxt, axis=0, keepdims=True)
    dot = jnp.dot(qx.astype(jnp.bfloat16), kxt.astype(jnp.bfloat16),
                  preferred_element_type=jnp.float32)
    d2 = qn + kn - 2.0 * dot
    dist = jnp.sqrt(jnp.maximum(d2, 1e-12))
    work = jnp.where(dist <= RADIUS, dist, jnp.inf)
    base = b * M
    MH = M // 2
    lo = work[:, :MH]
    hi = work[:, MH:]
    le = lo <= hi
    iota2 = jax.lax.broadcasted_iota(jnp.int32, (_TN, MH), 1)
    fmin = jnp.where(le, lo, hi)
    pmax = jnp.where(le, hi, lo)
    gidx = jnp.where(le, iota2, iota2 + MH)
    pidx = jnp.where(le, iota2 + MH, iota2)
    for k in range(K):
        mval = jnp.min(fmin, axis=1, keepdims=True)
        asel = jnp.min(jnp.where(fmin == mval, gidx, M), axis=1,
                       keepdims=True)
        idx_ref[0, :, k:k + 1] = asel + base
        valid_ref[0, :, k:k + 1] = jnp.where(mval < jnp.inf, 1.0, 0.0)
        if k + 1 < K:
            hit = gidx == asel
            fmin = jnp.where(hit, pmax, fmin)
            gidx = jnp.where(hit, pidx, gidx)
            pmax = jnp.where(hit, jnp.inf, pmax)


def _topk(q_xyz, kxt, interpret=False):
    grid = (B, N // _TN)
    return pl.pallas_call(
        _topk_body,
        grid=grid,
        in_specs=[
            pl.BlockSpec((1, _TN, 3), lambda b, i: (b, i, 0)),
            pl.BlockSpec((1, 3, M), lambda b, i: (b, 0, 0)),
        ],
        out_specs=[
            pl.BlockSpec((1, _TN, K), lambda b, i: (b, i, 0)),
            pl.BlockSpec((1, _TN, K), lambda b, i: (b, i, 0)),
        ],
        out_shape=[
            jax.ShapeDtypeStruct((B, N, K), jnp.int32),
            jax.ShapeDtypeStruct((B, N, K), jnp.float32),
        ],
        interpret=interpret,
    )(q_xyz, kxt)



def _gather_sc(ktab, vtab, idx_flat):
    info = plsc.get_sparse_core_info()
    nw = info.num_cores * info.num_subcores
    R = idx_flat.shape[0]
    D = ktab.shape[1]
    rows_per_w = R // nw
    CH = 128
    nch = rows_per_w // CH
    mesh = plsc.VectorSubcoreMesh(core_axis_name="c", subcore_axis_name="s")

    @functools.partial(
        pl.kernel, mesh=mesh,
        out_type=[
            jax.ShapeDtypeStruct((R, D), jnp.float32),
            jax.ShapeDtypeStruct((R, D), jnp.float32),
        ],
        scratch_types=[
            pltpu.VMEM((CH,), jnp.int32),
            pltpu.VMEM((CH, D), jnp.float32),
            pltpu.VMEM((CH, D), jnp.float32),
            pltpu.SemaphoreType.DMA,
            pltpu.SemaphoreType.DMA,
        ],
    )
    def gk(ktab_hbm, vtab_hbm, idx_hbm, kout_hbm, vout_hbm, idx_c, rows_k,
           rows_v, semk, semv):
        wid = jax.lax.axis_index("s") * info.num_cores + jax.lax.axis_index("c")
        base = wid * rows_per_w

        def body(i, carry):
            off = base + i * CH
            pltpu.sync_copy(idx_hbm.at[pl.ds(off, CH)], idx_c)
            ck = pltpu.async_copy(ktab_hbm.at[idx_c], rows_k, semk)
            cv = pltpu.async_copy(vtab_hbm.at[idx_c], rows_v, semv)
            ck.wait()
            pltpu.sync_copy(rows_k, kout_hbm.at[pl.ds(off, CH)])
            cv.wait()
            pltpu.sync_copy(rows_v, vout_hbm.at[pl.ds(off, CH)])
            return carry

        jax.lax.fori_loop(0, nch, body, 0)

    return gk(ktab, vtab, idx_flat)



_G = 256


def _attn_body(qf_ref, qx_ref, kgf_ref, vgf_ref, m128_ref, m0_ref,
               hsum_ref, hb0_ref, dn_ref, dn0_ref, br_ref, br0_ref,
               wq_ref, wk_ref, wv_ref,
               wpq_ref, wpk_ref, cq_ref, ck_ref, bv_ref, wo_ref, bo_ref,
               g1_ref, be1_ref, g2_ref, be2_ref, w1_ref, b1_ref, w2_ref,
               b2_ref, out_ref):
    f32 = jnp.float32
    qf = qf_ref[...]
    qx = qx_ref[...]
    q0 = (jnp.dot(qf, wq_ref[...], preferred_element_type=f32)
          + jnp.dot(qx, wpq_ref[...], preferred_element_type=f32) + cq_ref[...])
    k0 = (jnp.dot(qf, wk_ref[...], preferred_element_type=f32)
          + jnp.dot(qx, wpk_ref[...], preferred_element_type=f32) + ck_ref[...])
    v0 = jnp.dot(qf, wv_ref[...], preferred_element_type=f32) + bv_ref[...]
    kgf = kgf_ref[...]
    vgf = vgf_ref[...]
    scale = np.float32(1.0 / np.sqrt(DH))
    qrep = jnp.concatenate([q0] * K, axis=1)
    pk = qrep * kgf
    s = jnp.dot(pk, hsum_ref[...], preferred_element_type=f32) * scale
    s = jnp.where(m128_ref[...] > 0.0, s, -1e9)
    s0 = jnp.dot(q0 * k0, hb0_ref[...], preferred_element_type=f32) * scale
    s0 = jnp.where(m0_ref[...] > 0.0, s0, -1e9)
    mx = jnp.max(jnp.maximum(s, s0), axis=1, keepdims=True)
    e = jnp.exp(s - mx)
    e0 = jnp.exp(s0 - mx)
    den = (jnp.dot(e, dn_ref[...], preferred_element_type=f32)
           + jnp.dot(e0, dn0_ref[...], preferred_element_type=f32))
    w = e / den
    w0 = e0 / den
    wbr = jnp.dot(w, br_ref[...], preferred_element_type=f32)
    wv = wbr * vgf
    out0 = jnp.dot(w0, br0_ref[...], preferred_element_type=f32) * v0
    for j in range(K):
        out0 = out0 + wv[:, j * C:(j + 1) * C]
    y = jnp.dot(out0, wo_ref[...], preferred_element_type=f32) + bo_ref[...]

    x = qf + y
    mu = jnp.mean(x, axis=-1, keepdims=True)
    var = jnp.mean((x - mu) ** 2, axis=-1, keepdims=True)
    x = (x - mu) / jnp.sqrt(var + 1e-5) * g1_ref[...] + be1_ref[...]

    h1 = jnp.maximum(jnp.dot(x, w1_ref[...], preferred_element_type=f32)
                     + b1_ref[...], 0.0)
    ffv = jnp.dot(h1, w2_ref[...], preferred_element_type=f32) + b2_ref[...]

    x2 = x + ffv
    mu2 = jnp.mean(x2, axis=-1, keepdims=True)
    var2 = jnp.mean((x2 - mu2) ** 2, axis=-1, keepdims=True)
    x2 = (x2 - mu2) / jnp.sqrt(var2 + 1e-5) * g2_ref[...] + be2_ref[...]

    out_ref[...] = x2 + qf


def _mk_consts():
    l = np.arange(128)
    jj, hh = l // 16, l % 16
    r2 = np.arange(K * C)
    HSUM = np.zeros((K * C, 128), np.float32)
    HSUM[r2, (r2 // C) * 16 + (r2 % C) // DH] = 1.0
    r1 = np.arange(C)
    HB0 = np.zeros((C, 128), np.float32)
    HB0[r1, r1 // DH] = 1.0
    DN = ((hh[:, None] < 8) & (hh[None, :] == hh[:, None])).astype(np.float32)
    DN0 = np.zeros((128, 128), np.float32)
    for h in range(H):
        DN0[h, (hh == h) | (hh >= 8)] = 1.0
    BR = np.zeros((128, K * C), np.float32)
    mask_l = hh < 8
    BR[l[mask_l][:, None],
       (jj[mask_l] * C + hh[mask_l] * DH)[:, None] + np.arange(DH)[None, :]] = 1.0
    BR0 = np.zeros((128, C), np.float32)
    BR0[l[l < H][:, None], (l[l < H] * DH)[:, None] + np.arange(DH)[None, :]] = 1.0
    M0 = (l < H).astype(np.float32).reshape(1, 128)
    PAT = mask_l.astype(np.float32).reshape(1, 128)
    return HSUM, HB0, DN, DN0, BR, BR0, M0, PAT


def _attn(qf2, qx2, kgf, vgf, m128, m0, HSUM, HB0, DN, DN0, BR, BR0,
          Wq, Wk, Wv, Wpq, Wpk, cq, ck, bv, Wo, bo,
          g1, be1, g2, be2, W1, b1, W2, b2, interpret=False):
    rows = qf2.shape[0]
    grid = (rows // _G,)
    full = lambda r, c: pl.BlockSpec((r, c), lambda i: (0, 0))
    return pl.pallas_call(
        _attn_body,
        grid=grid,
        in_specs=[
            pl.BlockSpec((_G, C), lambda i: (i, 0)),
            pl.BlockSpec((_G, 3), lambda i: (i, 0)),
            pl.BlockSpec((_G, K * C), lambda i: (i, 0)),
            pl.BlockSpec((_G, K * C), lambda i: (i, 0)),
            pl.BlockSpec((_G, 128), lambda i: (i, 0)),
            full(1, 128),
            full(K * C, 128), full(C, 128), full(128, 128), full(128, 128),
            full(128, K * C), full(128, C),
            full(C, C), full(C, C), full(C, C), full(3, C), full(3, C),
            full(1, C), full(1, C), full(1, C), full(C, C), full(1, C),
            full(1, C), full(1, C), full(1, C), full(1, C),
            full(C, FF), full(1, FF), full(FF, C), full(1, C),
        ],
        out_specs=pl.BlockSpec((_G, C), lambda i: (i, 0)),
        out_shape=jax.ShapeDtypeStruct((rows, C), jnp.float32),
        interpret=interpret,
    )(qf2, qx2, kgf, vgf, m128, m0, HSUM, HB0, DN, DN0, BR, BR0,
      Wq, Wk, Wv, Wpq, Wpk, cq, ck, bv, Wo, bo,
      g1, be1, g2, be2, W1, b1, W2, b2)




def kernel(q_xyz, q_feat, kv_xyz, kv_feat, Wp, bp, Wq, bq, Wk, bk, Wv, bv,
           Wo, bo, g1, be1, g2, be2, W1, b1, W2, b2):
    Wpk = Wp @ Wk
    Wpq = Wp @ Wq
    ck = (bp @ Wk + bk).reshape(1, C)
    cq = (bp @ Wq + bq).reshape(1, C)
    bv2 = bv.reshape(1, C)

    kvf2 = kv_feat.reshape(BM, C)
    kvx2 = kv_xyz.reshape(BM, 3)
    kxt = kv_xyz.transpose(0, 2, 1)

    ktab, vtab = _proj_kv(kvf2, kvx2, Wk, Wv, Wpk, ck, bv2)
    idxg, valid = _topk(q_xyz, kxt)

    gk, gv = _gather_sc(ktab, vtab, idxg.reshape(BN * K))
    kgf = gk.reshape(BN, K * C)
    vgf = gv.reshape(BN, K * C)

    HSUM, HB0, DN, DN0, BR, BR0, M0, PAT = _mk_consts()
    m128 = jnp.repeat(valid.reshape(BN, K), 16, axis=1) * PAT

    out = _attn(q_feat.reshape(BN, C), q_xyz.reshape(BN, 3), kgf, vgf,
                m128, M0, HSUM, HB0, DN, DN0, BR, BR0,
                Wq, Wk, Wv, Wpq, Wpk, cq, ck, bv2,
                Wo, bo.reshape(1, C), g1.reshape(1, C), be1.reshape(1, C),
                g2.reshape(1, C), be2.reshape(1, C), W1, b1.reshape(1, FF),
                W2, b2.reshape(1, C))
    return out.reshape(B, N, C)

# --- scband reference (transcript-rebuilt; emitter-appended) ---
"""Pipeline reference for scband-local-feature-fusion-12601434046898 (READ-ONLY COPY).

The authoritative reference and input builder live on the scoring server;
editing this copy changes nothing except your own understanding.
"""

import jax, jax.numpy as jnp
import numpy as np

B, N, M, C, H, K = 4, 2048, 4096, 256, 8, 8
RADIUS = 0.2
DH = C // H
FF = 4 * C

def _ln(x, g, b):
    mu = jnp.mean(x, axis=-1, keepdims=True)
    var = jnp.var(x, axis=-1, keepdims=True)
    return (x - mu) / jnp.sqrt(var + 1e-5) * g + b

def setup_inputs(seed: int = 0):
    key = jax.random.key(seed)
    ks = jax.random.split(key, 12)
    return {
        "q_xyz": jax.random.uniform(ks[0], (B, N, 3), dtype=jnp.float32),
        "q_feat": jax.random.normal(ks[1], (B, N, C), dtype=jnp.float32) * 0.5,
        "kv_xyz": jax.random.uniform(ks[2], (B, M, 3), dtype=jnp.float32),
        "kv_feat": jax.random.normal(ks[3], (B, M, C), dtype=jnp.float32) * 0.5,
        "Wp": jax.random.normal(ks[4], (3, C), dtype=jnp.float32) * 0.1,
        "bp": jnp.zeros((C,), jnp.float32),
        "Wq": jax.random.normal(ks[5], (C, C), dtype=jnp.float32) * 0.05,
        "bq": jnp.zeros((C,), jnp.float32),
        "Wk": jax.random.normal(ks[6], (C, C), dtype=jnp.float32) * 0.05,
        "bk": jnp.zeros((C,), jnp.float32),
        "Wv": jax.random.normal(ks[7], (C, C), dtype=jnp.float32) * 0.05,
        "bv": jnp.zeros((C,), jnp.float32),
        "Wo": jax.random.normal(ks[8], (C, C), dtype=jnp.float32) * 0.05,
        "bo": jnp.zeros((C,), jnp.float32),
        "g1": jnp.ones((C,), jnp.float32),
        "be1": jnp.zeros((C,), jnp.float32),
        "g2": jnp.ones((C,), jnp.float32),
        "be2": jnp.zeros((C,), jnp.float32),
        "W1": jax.random.normal(ks[9], (C, FF), dtype=jnp.float32) * 0.05,
        "b1": jnp.zeros((FF,), jnp.float32),
        "W2": jax.random.normal(ks[10], (FF, C), dtype=jnp.float32) * 0.05,
        "b2": jnp.zeros((C,), jnp.float32),
    }

def _forward(q_xyz, q_feat, kv_xyz, kv_feat, Wp, bp, Wq, bq, Wk, bk, Wv, bv, Wo, bo, g1, be1, g2, be2, W1, b1, W2, b2):
    # pairwise distances (cdist) via norms to avoid B*N*M*3 intermediate
    d2 = (jnp.sum(q_xyz ** 2, -1)[:, :, None]
          + jnp.sum(kv_xyz ** 2, -1)[:, None, :]
          - 2.0 * jnp.einsum('bnd,bmd->bnm', q_xyz, kv_xyz))
    dist = jnp.sqrt(jnp.maximum(d2, 1e-12))
    dist = jnp.where(dist <= RADIUS, dist, jnp.inf)
    neg_vals, idx = jax.lax.top_k(-dist, K)  # k smallest distances
    gather_dist = -neg_vals
    invalid = jnp.isinf(gather_dist)
    idx = jnp.where(invalid, 0, idx)
    gather = jax.vmap(lambda a, i: a[i])
    neigh_xyz = gather(kv_xyz, idx)   # (B,N,K,3)
    neigh_feat = gather(kv_feat, idx)  # (B,N,K,C)
    neigh_xyz = jnp.where(invalid[..., None], q_xyz[:, :, None, :], neigh_xyz)
    neigh_feat = jnp.where(invalid[..., None], q_feat[:, :, None, :], neigh_feat)
    tokens = jnp.concatenate([q_feat[:, :, None, :], neigh_feat], axis=2).reshape(B * N, K + 1, C)
    coords = jnp.concatenate([q_xyz[:, :, None, :], neigh_xyz], axis=2).reshape(B * N, K + 1, 3)
    pad = jnp.concatenate([jnp.zeros_like(invalid[..., :1]), invalid], axis=-1).reshape(B * N, K + 1)
    # TransformerLayer: coord positional embedding added to q/k, MHA with key padding mask, post-norm FFN
    pos = coords @ Wp + bp
    qk_in = tokens + pos
    q = (qk_in @ Wq + bq).reshape(B * N, K + 1, H, DH).transpose(0, 2, 1, 3)
    k = (qk_in @ Wk + bk).reshape(B * N, K + 1, H, DH).transpose(0, 2, 1, 3)
    v = (tokens @ Wv + bv).reshape(B * N, K + 1, H, DH).transpose(0, 2, 1, 3)
    scores = jnp.einsum('bhqd,bhkd->bhqk', q, k) / np.sqrt(DH)
    scores = jnp.where(pad[:, None, None, :], -1e9, scores)
    attn = jax.nn.softmax(scores, axis=-1)
    out = jnp.einsum('bhqk,bhkd->bhqd', attn, v).transpose(0, 2, 1, 3).reshape(B * N, K + 1, C)
    out = out @ Wo + bo
    x = _ln(tokens + out, g1, be1)
    ff = jax.nn.relu(x @ W1 + b1) @ W2 + b2
    x = _ln(x + ff, g2, be2)
    fused_q = x[:, 0, :].reshape(B, N, C) + q_feat
    return fused_q

def reference(q_xyz, q_feat, kv_xyz, kv_feat, Wp, bp, Wq, bq, Wk, bk, Wv, bv, Wo, bo, g1, be1, g2, be2, W1, b1, W2, b2):
    return _forward(q_xyz, q_feat, kv_xyz, kv_feat, Wp, bp, Wq, bq, Wk, bk, Wv, bv, Wo, bo, g1, be1, g2, be2, W1, b1, W2, b2)

if __name__ == "__main__":
    import jax
    _d = setup_inputs()
    print(jax.jit(kernel)(*tuple(_d.values())))

</pallas_src>

<mosaic_0001>
#map = affine_map<(d0, d1) -> (0, 0)>
#map1 = affine_map<(d0, d1) -> (0)>
module attributes {stable_mosaic.version = 14 : i64} {
  func.func @gk(%arg0: i32, %arg1: i32, %arg2: memref<16384x256xf32, #tpu.memory_space<hbm>>, %arg3: memref<16384x256xf32, #tpu.memory_space<hbm>>, %arg4: memref<65536xi32, #tpu.memory_space<hbm>>, %arg5: memref<65536x256xf32, #tpu.memory_space<hbm>>, %arg6: memref<65536x256xf32, #tpu.memory_space<hbm>>, %arg7: memref<128xi32, #tpu.memory_space<vmem>>, %arg8: memref<128x256xf32, #tpu.memory_space<vmem>>, %arg9: memref<128x256xf32, #tpu.memory_space<vmem>>, %arg10: memref<!tpu.dma_semaphore, #tpu.memory_space<semaphore_mem>>, %arg11: memref<!tpu.dma_semaphore, #tpu.memory_space<semaphore_mem>>) attributes {dimension_semantics = [#tpu.dimension_semantics<core_parallel>, #tpu.dimension_semantics<subcore_parallel>], iteration_bounds = array<i64: 2, 16>, scalar_prefetch = 0 : i64, scratch_operands = 5 : i64, tpu.core_type = #tpu.core_type<sc_vector_subcore>, window_params = [{transform_indices = #map}, {transform_indices = #map}, {transform_indices = #map1}, {transform_indices = #map}, {transform_indices = #map}]} {
    %mul3A = arith.constant 2 : i32
    %mul3A_0 = arith.muli %arg1, %mul3A : i32
    %add3A = arith.addi %mul3A_0, %arg0 : i32
    %mul3A_1 = arith.constant 2048 : i32
    %mul3A_2 = arith.muli %add3A, %mul3A_1 : i32
    %scan3A = arith.constant 0 : i32
    %scan3A_3 = arith.constant 0 : i32
    %scan3A_4 = arith.constant 16 : i32
    %scan3A_5 = arith.addi %scan3A_3, %scan3A_4 : i32
    %scan3A_6 = arith.constant 1 : i32
    scf.for %scan3A_8 = %scan3A_3 to %scan3A_5 step %scan3A_6  : i32 {
      %mul3A_9 = arith.constant 128 : i32
      %mul3A_10 = arith.muli %scan3A_8, %mul3A_9 : i32
      %add3A_11 = arith.addi %mul3A_2, %mul3A_10 : i32
      "tpu.region"() ({
        %run_scoped3A = tpu.sem_alloc : memref<!tpu.dma_semaphore, #tpu.memory_space<semaphore_mem>>
        %dma_start3A_22 = tpu.memref_slice %arg4[%add3A_11] : memref<65536xi32, #tpu.memory_space<hbm>> -> memref<128xi32, #tpu.memory_space<hbm>>
        %dma_start3A_23 = tpu.memref_slice %arg4[%add3A_11] : memref<65536xi32, #tpu.memory_space<hbm>> -> memref<128xi32, #tpu.memory_space<hbm>>
        tpu.enqueue_dma source(%dma_start3A_23 : memref<128xi32, #tpu.memory_space<hbm>>) target(%arg7 : memref<128xi32, #tpu.memory_space<vmem>>) target_semaphore(%run_scoped3A : memref<!tpu.dma_semaphore, #tpu.memory_space<semaphore_mem>>)
        %dma_wait3A_24 = tpu.memref_slice %arg4[%add3A_11] : memref<65536xi32, #tpu.memory_space<hbm>> -> memref<128xi32, #tpu.memory_space<hbm>>
        %dma_wait3A_25 = tpu.memref_slice %arg4[%add3A_11] : memref<65536xi32, #tpu.memory_space<hbm>> -> memref<128xi32, #tpu.memory_space<hbm>>
        tpu.wait_dma2 semaphore(%run_scoped3A : memref<!tpu.dma_semaphore, #tpu.memory_space<semaphore_mem>>) src(%dma_wait3A_25 : memref<128xi32, #tpu.memory_space<hbm>>) dst(%arg7 : memref<128xi32, #tpu.memory_space<vmem>>)
        tpu.yield
      }) : () -> ()
      %dma_start3A = arith.constant 0 : i32
      %dma_start3A_12 = arith.constant 0 : i32
      %dma_start3A_13 = tpu.memref_slice %arg2[%dma_start3A, %dma_start3A_12] : memref<16384x256xf32, #tpu.memory_space<hbm>> -> memref<16384x256xf32, #tpu.memory_space<hbm>>
      tpu.enqueue_indirect_dma source(%dma_start3A_13 : memref<16384x256xf32, #tpu.memory_space<hbm>>) target(%arg8 : memref<128x256xf32, #tpu.memory_space<vmem>>) offsets(%arg7 : memref<128xi32, #tpu.memory_space<vmem>>) semaphore(%arg10 : memref<!tpu.dma_semaphore, #tpu.memory_space<semaphore_mem>>)
      %dma_start3A_14 = arith.constant 0 : i32
      %dma_start3A_15 = arith.constant 0 : i32
      %dma_start3A_16 = tpu.memref_slice %arg3[%dma_start3A_14, %dma_start3A_15] : memref<16384x256xf32, #tpu.memory_space<hbm>> -> memref<16384x256xf32, #tpu.memory_space<hbm>>
      tpu.enqueue_indirect_dma source(%dma_start3A_16 : memref<16384x256xf32, #tpu.memory_space<hbm>>) target(%arg9 : memref<128x256xf32, #tpu.memory_space<vmem>>) offsets(%arg7 : memref<128xi32, #tpu.memory_space<vmem>>) semaphore(%arg11 : memref<!tpu.dma_semaphore, #tpu.memory_space<semaphore_mem>>)
      %dma_wait3A = arith.constant 0 : i32
      %dma_wait3A_17 = arith.constant 0 : i32
      %dma_wait3A_18 = tpu.memref_slice %arg2[%dma_wait3A, %dma_wait3A_17] : memref<16384x256xf32, #tpu.memory_space<hbm>> -> memref<16384x256xf32, #tpu.memory_space<hbm>>
      tpu.wait_indirect_dma semaphore(%arg10 : memref<!tpu.dma_semaphore, #tpu.memory_space<semaphore_mem>>) src(%dma_wait3A_18 : memref<16384x256xf32, #tpu.memory_space<hbm>>) dst(%arg8 : memref<128x256xf32, #tpu.memory_space<vmem>>)
      "tpu.region"() ({
        %run_scoped3A = tpu.sem_alloc : memref<!tpu.dma_semaphore, #tpu.memory_space<semaphore_mem>>
        %dma_start3A_22 = arith.constant 0 : i32
        %dma_start3A_23 = tpu.memref_slice %arg5[%add3A_11, %dma_start3A_22] : memref<65536x256xf32, #tpu.memory_space<hbm>> -> memref<128x256xf32, #tpu.memory_space<hbm>>
        %dma_start3A_24 = arith.constant 0 : i32
        %dma_start3A_25 = tpu.memref_slice %arg5[%add3A_11, %dma_start3A_24] : memref<65536x256xf32, #tpu.memory_space<hbm>> -> memref<128x256xf32, #tpu.memory_space<hbm>>
        tpu.enqueue_dma source(%arg8 : memref<128x256xf32, #tpu.memory_space<vmem>>) target(%dma_start3A_25 : memref<128x256xf32, #tpu.memory_space<hbm>>) target_semaphore(%run_scoped3A : memref<!tpu.dma_semaphore, #tpu.memory_space<semaphore_mem>>)
        %dma_wait3A_26 = arith.constant 0 : i32
        %dma_wait3A_27 = tpu.memref_slice %arg5[%add3A_11, %dma_wait3A_26] : memref<65536x256xf32, #tpu.memory_space<hbm>> -> memref<128x256xf32, #tpu.memory_space<hbm>>
        %dma_wait3A_28 = arith.constant 0 : i32
        %dma_wait3A_29 = tpu.memref_slice %arg5[%add3A_11, %dma_wait3A_28] : memref<65536x256xf32, #tpu.memory_space<hbm>> -> memref<128x256xf32, #tpu.memory_space<hbm>>
        tpu.wait_dma2 semaphore(%run_scoped3A : memref<!tpu.dma_semaphore, #tpu.memory_space<semaphore_mem>>) src(%arg8 : memref<128x256xf32, #tpu.memory_space<vmem>>) dst(%dma_wait3A_29 : memref<128x256xf32, #tpu.memory_space<hbm>>)
        tpu.yield
      }) : () -> ()
      %dma_wait3A_19 = arith.constant 0 : i32
      %dma_wait3A_20 = arith.constant 0 : i32
      %dma_wait3A_21 = tpu.memref_slice %arg3[%dma_wait3A_19, %dma_wait3A_20] : memref<16384x256xf32, #tpu.memory_space<hbm>> -> memref<16384x256xf32, #tpu.memory_space<hbm>>
      tpu.wait_indirect_dma semaphore(%arg11 : memref<!tpu.dma_semaphore, #tpu.memory_space<semaphore_mem>>) src(%dma_wait3A_21 : memref<16384x256xf32, #tpu.memory_space<hbm>>) dst(%arg9 : memref<128x256xf32, #tpu.memory_space<vmem>>)
      "tpu.region"() ({
        %run_scoped3A = tpu.sem_alloc : memref<!tpu.dma_semaphore, #tpu.memory_space<semaphore_mem>>
        %dma_start3A_22 = arith.constant 0 : i32
        %dma_start3A_23 = tpu.memref_slice %arg6[%add3A_11, %dma_start3A_22] : memref<65536x256xf32, #tpu.memory_space<hbm>> -> memref<128x256xf32, #tpu.memory_space<hbm>>
        %dma_start3A_24 = arith.constant 0 : i32
        %dma_start3A_25 = tpu.memref_slice %arg6[%add3A_11, %dma_start3A_24] : memref<65536x256xf32, #tpu.memory_space<hbm>> -> memref<128x256xf32, #tpu.memory_space<hbm>>
        tpu.enqueue_dma source(%arg9 : memref<128x256xf32, #tpu.memory_space<vmem>>) target(%dma_start3A_25 : memref<128x256xf32, #tpu.memory_space<hbm>>) target_semaphore(%run_scoped3A : memref<!tpu.dma_semaphore, #tpu.memory_space<semaphore_mem>>)
        %dma_wait3A_26 = arith.constant 0 : i32
        %dma_wait3A_27 = tpu.memref_slice %arg6[%add3A_11, %dma_wait3A_26] : memref<65536x256xf32, #tpu.memory_space<hbm>> -> memref<128x256xf32, #tpu.memory_space<hbm>>
        %dma_wait3A_28 = arith.constant 0 : i32
        %dma_wait3A_29 = tpu.memref_slice %arg6[%add3A_11, %dma_wait3A_28] : memref<65536x256xf32, #tpu.memory_space<hbm>> -> memref<128x256xf32, #tpu.memory_space<hbm>>
        tpu.wait_dma2 semaphore(%run_scoped3A : memref<!tpu.dma_semaphore, #tpu.memory_space<semaphore_mem>>) src(%arg9 : memref<128x256xf32, #tpu.memory_space<vmem>>) dst(%dma_wait3A_29 : memref<128x256xf32, #tpu.memory_space<hbm>>)
        tpu.yield
      }) : () -> ()
    }
    %scan3A_7 = arith.constant 16 : i32
    return
  }
}

module attributes {stable_mosaic.version = 14 : i64} {
  func.func @_topk_body(%arg0: i32, %arg1: i32, %arg2: memref<1x256x3xf32, #tpu.memory_space<vmem>>, %arg3: memref<1x3x4096xf32, #tpu.memory_space<vmem>>, %arg4: memref<1x256x8xi32, #tpu.memory_space<vmem>>, %arg5: memref<1x256x8xf32, #tpu.memory_space<vmem>>) attributes {dimension_semantics = [#tpu.dimension_semantics<arbitrary>, #tpu.dimension_semantics<arbitrary>], iteration_bounds = array<i64: 4, 8>, scalar_prefetch = 0 : i64, scratch_operands = 0 : i64, tpu.core_type = #tpu.core_type<tc>, window_params = [{transform_indices = @transform_0, window_bounds = array<i64: 1, 256, 3>}, {transform_indices = @transform_1, window_bounds = array<i64: 1, 3, 4096>}, {transform_indices = @transform_2, window_bounds = array<i64: 1, 256, 8>}, {transform_indices = @transform_3, window_bounds = array<i64: 1, 256, 8>}]} {
    %get3A = arith.constant 0 : index
    %get3A_0 = arith.constant 0 : index
    %get3A_1 = arith.constant 0 : index
    %get3A_2 = vector.load %arg2[%get3A, %get3A_0, %get3A_1] : memref<1x256x3xf32, #tpu.memory_space<vmem>>, vector<1x256x3xf32>
    %get3A_3 = vector.shape_cast %get3A_2 : vector<1x256x3xf32> to vector<256x3xf32>
    %get3A_4 = arith.constant 0 : index
    %get3A_5 = arith.constant 0 : index
    %get3A_6 = arith.constant 0 : index
    %get3A_7 = vector.load %arg3[%get3A_4, %get3A_5, %get3A_6] : memref<1x3x4096xf32, #tpu.memory_space<vmem>>, vector<1x3x4096xf32>
    %get3A_8 = vector.shape_cast %get3A_7 : vector<1x3x4096xf32> to vector<3x4096xf32>
    %mul3A = arith.mulf %get3A_3, %get3A_3 : vector<256x3xf32>
    %reduce_sum3A = arith.constant dense<0.000000e+00> : vector<256xf32>
    %reduce_sum3A_9 = vector.multi_reduction <add>, %mul3A, %reduce_sum3A [1] : vector<256x3xf32> to vector<256xf32>
    %broadcast_in_dim3A = vector.shape_cast %reduce_sum3A_9 : vector<256xf32> to vector<256x1xf32>
    %mul3A_10 = arith.mulf %get3A_8, %get3A_8 : vector<3x4096xf32>
    %reduce_sum3A_11 = arith.constant dense<0.000000e+00> : vector<4096xf32>
    %reduce_sum3A_12 = vector.multi_reduction <add>, %mul3A_10, %reduce_sum3A_11 [0] : vector<3x4096xf32> to vector<4096xf32>
    %broadcast_in_dim3A_13 = vector.shape_cast %reduce_sum3A_12 : vector<4096xf32> to vector<1x4096xf32>
    %convert_element_type3A = arith.truncf %get3A_3 : vector<256x3xf32> to vector<256x3xbf16>
    %convert_element_type3A_14 = arith.truncf %get3A_8 : vector<3x4096xf32> to vector<3x4096xbf16>
    %dot_general3A = arith.constant dense<0.000000e+00> : vector<256x4096xf32>
    %dot_general3A_15 = tpu.matmul %convert_element_type3A, %convert_element_type3A_14, %dot_general3A {dimension_numbers = #tpu.dot_dimension_numbers<[1], [0], [0], [1], [0, 0, 1, 1], [], []>, transpose_lhs_hint = false} : vector<256x3xbf16>, vector<3x4096xbf16>, vector<256x4096xf32> -> vector<256x4096xf32>
    %add3A = vector.broadcast %broadcast_in_dim3A : vector<256x1xf32> to vector<256x4096xf32>
    %add3A_16 = vector.broadcast %broadcast_in_dim3A_13 : vector<1x4096xf32> to vector<256x4096xf32>
    %add3A_17 = arith.addf %add3A, %add3A_16 : vector<256x4096xf32>
    %mul3A_18 = arith.constant 2.000000e+00 : f32
    %mul3A_19 = vector.broadcast %mul3A_18 : f32 to vector<256x4096xf32>
    %mul3A_20 = arith.mulf %mul3A_19, %dot_general3A_15 : vector<256x4096xf32>
    %sub3A = arith.subf %add3A_17, %mul3A_20 : vector<256x4096xf32>
    %max3A = arith.constant 9.99999996E-13 : f32
    %max3A_21 = vector.broadcast %max3A : f32 to vector<256x4096xf32>
    %max3A_22 = arith.maximumf %sub3A, %max3A_21 : vector<256x4096xf32>
    %sqrt3A = math.sqrt %max3A_22 : vector<256x4096xf32>
    %le3A = arith.constant 2.000000e-01 : f32
    %le3A_23 = vector.broadcast %le3A : f32 to vector<256x4096xf32>
    %le3A_24 = arith.cmpf ole, %sqrt3A, %le3A_23 : vector<256x4096xf32>
    %jit3A = arith.constant 0x7F800000 : f32
    %broadcast_in_dim3A_25 = vector.broadcast %jit3A : f32 to vector<256x4096xf32>
    %select_n3A = arith.select %le3A_24, %sqrt3A, %broadcast_in_dim3A_25 : vector<256x4096xi1>, vector<256x4096xf32>
    %mul3A_26 = arith.constant 4096 : i32
    %mul3A_27 = arith.muli %arg0, %mul3A_26 : i32
    %slice3A = vector.extract_strided_slice %select_n3A {offsets = [0, 0], sizes = [256, 2048], strides = [1, 1]} : vector<256x4096xf32> to vector<256x2048xf32>
    %slice3A_28 = vector.extract_strided_slice %select_n3A {offsets = [0, 2048], sizes = [256, 2048], strides = [1, 1]} : vector<256x4096xf32> to vector<256x2048xf32>
    %le3A_29 = arith.cmpf ole, %slice3A, %slice3A_28 : vector<256x2048xf32>
    %iota3A = tpu.iota {dimensions = array<i32: 1>} : vector<256x2048xi32>
    %select_n3A_30 = arith.select %le3A_29, %slice3A, %slice3A_28 : vector<256x2048xi1>, vector<256x2048xf32>
    %select_n3A_31 = arith.select %le3A_29, %slice3A_28, %slice3A : vector<256x2048xi1>, vector<256x2048xf32>
    %add3A_32 = arith.constant 2048 : i32
    %add3A_33 = vector.broadcast %add3A_32 : i32 to vector<256x2048xi32>
    %add3A_34 = arith.addi %iota3A, %add3A_33 : vector<256x2048xi32>
    %select_n3A_35 = arith.select %le3A_29, %iota3A, %add3A_34 : vector<256x2048xi1>, vector<256x2048xi32>
    %add3A_36 = arith.constant 2048 : i32
    %add3A_37 = vector.broadcast %add3A_36 : i32 to vector<256x2048xi32>
    %add3A_38 = arith.addi %iota3A, %add3A_37 : vector<256x2048xi32>
    %select_n3A_39 = arith.select %le3A_29, %add3A_38, %iota3A : vector<256x2048xi1>, vector<256x2048xi32>
    %reduce_min3A = arith.constant dense<0x7F800000> : vector<256xf32>
    %reduce_min3A_40 = vector.multi_reduction <minimumf>, %select_n3A_30, %reduce_min3A [1] : vector<256x2048xf32> to vector<256xf32>
    %broadcast_in_dim3A_41 = vector.shape_cast %reduce_min3A_40 : vector<256xf32> to vector<256x1xf32>
    %eq3A = vector.broadcast %broadcast_in_dim3A_41 : vector<256x1xf32> to vector<256x2048xf32>
    %eq3A_42 = arith.cmpf oeq, %select_n3A_30, %eq3A : vector<256x2048xf32>
    %jit3A_43 = arith.constant 4096 : i32
    %broadcast_in_dim3A_44 = vector.broadcast %jit3A_43 : i32 to vector<256x2048xi32>
    %select_n3A_45 = arith.select %eq3A_42, %select_n3A_35, %broadcast_in_dim3A_44 : vector<256x2048xi1>, vector<256x2048xi32>
    %reduce_min3A_46 = arith.constant dense<2147483647> : vector<256xi32>
    %reduce_min3A_47 = vector.multi_reduction <minsi>, %select_n3A_45, %reduce_min3A_46 [1] : vector<256x2048xi32> to vector<256xi32>
    %broadcast_in_dim3A_48 = vector.shape_cast %reduce_min3A_47 : vector<256xi32> to vector<256x1xi32>
    %add3A_49 = vector.broadcast %mul3A_27 : i32 to vector<256x1xi32>
    %add3A_50 = arith.addi %broadcast_in_dim3A_48, %add3A_49 : vector<256x1xi32>
    %swap3A = arith.constant 0 : index
    %swap3A_51 = arith.constant 0 : index
    %swap3A_52 = arith.constant 0 : index
    %swap3A_53 = vector.load %arg4[%swap3A, %swap3A_51, %swap3A_52] : memref<1x256x8xi32, #tpu.memory_space<vmem>>, vector<1x256x1xi32>
    %swap3A_54 = vector.shape_cast %swap3A_53 : vector<1x256x1xi32> to vector<256x1xi32>
    %swap3A_55 = vector.shape_cast %add3A_50 : vector<256x1xi32> to vector<1x256x1xi32>
    tpu.vector_store %arg4[%swap3A, %swap3A_51, %swap3A_52], %swap3A_55 {strides = array<i32>} : memref<1x256x8xi32, #tpu.memory_space<vmem>>, vector<1x256x1xi32>,
    %lt3A = arith.constant 0x7F800000 : f32
    %lt3A_56 = vector.broadcast %lt3A : f32 to vector<256x1xf32>
    %lt3A_57 = arith.cmpf olt, %broadcast_in_dim3A_41, %lt3A_56 : vector<256x1xf32>
    %jit3A_58 = arith.constant 1.000000e+00 : f32
    %jit3A_59 = arith.constant 0.000000e+00 : f32
    %broadcast_in_dim3A_60 = vector.broadcast %jit3A_58 : f32 to vector<256x1xf32>
    %broadcast_in_dim3A_61 = vector.broadcast %jit3A_59 : f32 to vector<256x1xf32>
    %select_n3A_62 = arith.select %lt3A_57, %broadcast_in_dim3A_60, %broadcast_in_dim3A_61 : vector<256x1xi1>, vector<256x1xf32>
    %swap3A_63 = arith.constant 0 : index
    %swap3A_64 = arith.constant 0 : index
    %swap3A_65 = arith.constant 0 : index
    %swap3A_66 = vector.load %arg5[%swap3A_63, %swap3A_64, %swap3A_65] : memref<1x256x8xf32, #tpu.memory_space<vmem>>, vector<1x256x1xf32>
    %swap3A_67 = vector.shape_cast %swap3A_66 : vector<1x256x1xf32> to vector<256x1xf32>
    %swap3A_68 = vector.shape_cast %select_n3A_62 : vector<256x1xf32> to vector<1x256x1xf32>
    tpu.vector_store %arg5[%swap3A_63, %swap3A_64, %swap3A_65], %swap3A_68 {strides = array<i32>} : memref<1x256x8xf32, #tpu.memory_space<vmem>>, vector<1x256x1xf32>,
    %eq3A_69 = vector.broadcast %broadcast_in_dim3A_48 : vector<256x1xi32> to vector<256x2048xi32>
    %eq3A_70 = arith.cmpi eq, %select_n3A_35, %eq3A_69 : vector<256x2048xi32>
    %select_n3A_71 = arith.select %eq3A_70, %select_n3A_31, %select_n3A_30 : vector<256x2048xi1>, vector<256x2048xf32>
    %select_n3A_72 = arith.select %eq3A_70, %select_n3A_39, %select_n3A_35 : vector<256x2048xi1>, vector<256x2048xi32>
    %jit3A_73 = arith.constant 0x7F800000 : f32
    %broadcast_in_dim3A_74 = vector.broadcast %jit3A_73 : f32 to vector<256x2048xf32>
    %select_n3A_75 = arith.select %eq3A_70, %broadcast_in_dim3A_74, %select_n3A_31 : vector<256x2048xi1>, vector<256x2048xf32>
    %reduce_min3A_76 = arith.constant dense<0x7F800000> : vector<256xf32>
    %reduce_min3A_77 = vector.multi_reduction <minimumf>, %select_n3A_71, %reduce_min3A_76 [1] : vector<256x2048xf32> to vector<256xf32>
    %broadcast_in_dim3A_78 = vector.shape_cast %reduce_min3A_77 : vector<256xf32> to vector<256x1xf32>
    %eq3A_79 = vector.broadcast %broadcast_in_dim3A_78 : vector<256x1xf32> to vector<256x2048xf32>
    %eq3A_80 = arith.cmpf oeq, %select_n3A_71, %eq3A_79 : vector<256x2048xf32>
    %jit3A_81 = arith.constant 4096 : i32
    %broadcast_in_dim3A_82 = vector.broadcast %jit3A_81 : i32 to vector<256x2048xi32>
    %select_n3A_83 = arith.select %eq3A_80, %select_n3A_72, %broadcast_in_dim3A_82 : vector<256x2048xi1>, vector<256x2048xi32>
    %reduce_min3A_84 = arith.constant dense<2147483647> : vector<256xi32>
    %reduce_min3A_85 = vector.multi_reduction <minsi>, %select_n3A_83, %reduce_min3A_84 [1] : vector<256x2048xi32> to vector<256xi32>
    %broadcast_in_dim3A_86 = vector.shape_cast %reduce_min3A_85 : vector<256xi32> to vector<256x1xi32>
    %add3A_87 = vector.broadcast %mul3A_27 : i32 to vector<256x1xi32>
    %add3A_88 = arith.addi %broadcast_in_dim3A_86, %add3A_87 : vector<256x1xi32>
    %swap3A_89 = arith.constant 0 : index
    %swap3A_90 = arith.constant 0 : index
    %swap3A_91 = arith.constant 1 : index
    %swap3A_92 = vector.load %arg4[%swap3A_89, %swap3A_90, %swap3A_91] : memref<1x256x8xi32, #tpu.memory_space<vmem>>, vector<1x256x1xi32>
    %swap3A_93 = vector.shape_cast %swap3A_92 : vector<1x256x1xi32> to vector<256x1xi32>
    %swap3A_94 = vector.shape_cast %add3A_88 : vector<256x1xi32> to vector<1x256x1xi32>
    tpu.vector_store %arg4[%swap3A_89, %swap3A_90, %swap3A_91], %swap3A_94 {strides = array<i32>} : memref<1x256x8xi32, #tpu.memory_space<vmem>>, vector<1x256x1xi32>,
    %lt3A_95 = arith.constant 0x7F800000 : f32
    %lt3A_96 = vector.broadcast %lt3A_95 : f32 to vector<256x1xf32>
    %lt3A_97 = arith.cmpf olt, %broadcast_in_dim3A_78, %lt3A_96 : vector<256x1xf32>
    %jit3A_98 = arith.constant 1.000000e+00 : f32
    %jit3A_99 = arith.constant 0.000000e+00 : f32
    %broadcast_in_dim3A_100 = vector.broadcast %jit3A_98 : f32 to vector<256x1xf32>
    %broadcast_in_dim3A_101 = vector.broadcast %jit3A_99 : f32 to vector<256x1xf32>
    %select_n3A_102 = arith.select %lt3A_97, %broadcast_in_dim3A_100, %broadcast_in_dim3A_101 : vector<256x1xi1>, vector<256x1xf32>
    %swap3A_103 = arith.constant 0 : index
    %swap3A_104 = arith.constant 0 : index
    %swap3A_105 = arith.constant 1 : index
    %swap3A_106 = vector.load %arg5[%swap3A_103, %swap3A_104, %swap3A_105] : memref<1x256x8xf32, #tpu.memory_space<vmem>>, vector<1x256x1xf32>
    %swap3A_107 = vector.shape_cast %swap3A_106 : vector<1x256x1xf32> to vector<256x1xf32>
    %swap3A_108 = vector.shape_cast %select_n3A_102 : vector<256x1xf32> to vector<1x256x1xf32>
    tpu.vector_store %arg5[%swap3A_103, %swap3A_104, %swap3A_105], %swap3A_108 {strides = array<i32>} : memref<1x256x8xf32, #tpu.memory_space<vmem>>, vector<1x256x1xf32>,
    %eq3A_109 = vector.broadcast %broadcast_in_dim3A_86 : vector<256x1xi32> to vector<256x2048xi32>
    %eq3A_110 = arith.cmpi eq, %select_n3A_72, %eq3A_109 : vector<256x2048xi32>
    %select_n3A_111 = arith.select %eq3A_110, %select_n3A_75, %select_n3A_71 : vector<256x2048xi1>, vector<256x2048xf32>
    %select_n3A_112 = arith.select %eq3A_110, %select_n3A_39, %select_n3A_72 : vector<256x2048xi1>, vector<256x2048xi32>
    %jit3A_113 = arith.constant 0x7F800000 : f32
    %broadcast_in_dim3A_114 = vector.broadcast %jit3A_113 : f32 to vector<256x2048xf32>
    %select_n3A_115 = arith.select %eq3A_110, %broadcast_in_dim3A_114, %select_n3A_75 : vector<256x2048xi1>, vector<256x2048xf32>
    %reduce_min3A_116 = arith.constant dense<0x7F800000> : vector<256xf32>
    %reduce_min3A_117 = vector.multi_reduction <minimumf>, %select_n3A_111, %reduce_min3A_116 [1] : vector<256x2048xf32> to vector<256xf32>
    %broadcast_in_dim3A_118 = vector.shape_cast %reduce_min3A_117 : vector<256xf32> to vector<256x1xf32>
    %eq3A_119 = vector.broadcast %broadcast_in_dim3A_118 : vector<256x1xf32> to vector<256x2048xf32>
    %eq3A_120 = arith.cmpf oeq, %select_n3A_111, %eq3A_119 : vector<256x2048xf32>
    %jit3A_121 = arith.constant 4096 : i32
    %broadcast_in_dim3A_122 = vector.broadcast %jit3A_121 : i32 to vector<256x2048xi32>
    %select_n3A_123 = arith.select %eq3A_120, %select_n3A_112, %broadcast_in_dim3A_122 : vector<256x2048xi1>, vector<256x2048xi32>
    %reduce_min3A_124 = arith.constant dense<2147483647> : vector<256xi32>
    %reduce_min3A_125 = vector.multi_reduction <minsi>, %select_n3A_123, %reduce_min3A_124 [1] : vector<256x2048xi32> to vector<256xi32>
    %broadcast_in_dim3A_126 = vector.shape_cast %reduce_min3A_125 : vector<256xi32> to vector<256x1xi32>
    %add3A_127 = vector.broadcast %mul3A_27 : i32 to vector<256x1xi32>
    %add3A_128 = arith.addi %broadcast_in_dim3A_126, %add3A_127 : vector<256x1xi32>
    %swap3A_129 = arith.constant 0 : index
    %swap3A_130 = arith.constant 0 : index
    %swap3A_131 = arith.constant 2 : index
    %swap3A_132 = vector.load %arg4[%swap3A_129, %swap3A_130, %swap3A_131] : memref<1x256x8xi32, #tpu.memory_space<vmem>>, vector<1x256x1xi32>
    %swap3A_133 = vector.shape_cast %swap3A_132 : vector<1x256x1xi32> to vector<256x1xi32>
    %swap3A_134 = vector.shape_cast %add3A_128 : vector<256x1xi32> to vector<1x256x1xi32>
    tpu.vector_store %arg4[%swap3A_129, %swap3A_130, %swap3A_131], %swap3A_134 {strides = array<i32>} : memref<1x256x8xi32, #tpu.memory_space<vmem>>, vector<1x256x1xi32>,
    %lt3A_135 = arith.constant 0x7F800000 : f32
    %lt3A_136 = vector.broadcast %lt3A_135 : f32 to vector<256x1xf32>
    %lt3A_137 = arith.cmpf olt, %broadcast_in_dim3A_118, %lt3A_136 : vector<256x1xf32>
    %jit3A_138 = arith.constant 1.000000e+00 : f32
    %jit3A_139 = arith.constant 0.000000e+00 : f32
    %broadcast_in_dim3A_140 = vector.broadcast %jit3A_138 : f32 to vector<256x1xf32>
    %broadcast_in_dim3A_141 = vector.broadcast %jit3A_139 : f32 to vector<256x1xf32>
    %select_n3A_142 = arith.select %lt3A_137, %broadcast_in_dim3A_140, %broadcast_in_dim3A_141 : vector<256x1xi1>, vector<256x1xf32>
    %swap3A_143 = arith.constant 0 : index
    %swap3A_144 = arith.constant 0 : index
    %swap3A_145 = arith.constant 2 : index
    %swap3A_146 = vector.load %arg5[%swap3A_143, %swap3A_144, %swap3A_145] : memref<1x256x8xf32, #tpu.memory_space<vmem>>, vector<1x256x1xf32>
    %swap3A_147 = vector.shape_cast %swap3A_146 : vector<1x256x1xf32> to vector<256x1xf32>
    %swap3A_148 = vector.shape_cast %select_n3A_142 : vector<256x1xf32> to vector<1x256x1xf32>
    tpu.vector_store %arg5[%swap3A_143, %swap3A_144, %swap3A_145], %swap3A_148 {strides = array<i32>} : memref<1x256x8xf32, #tpu.memory_space<vmem>>, vector<1x256x1xf32>,
    %eq3A_149 = vector.broadcast %broadcast_in_dim3A_126 : vector<256x1xi32> to vector<256x2048xi32>
    %eq3A_150 = arith.cmpi eq, %select_n3A_112, %eq3A_149 : vector<256x2048xi32>
    %select_n3A_151 = arith.select %eq3A_150, %select_n3A_115, %select_n3A_111 : vector<256x2048xi1>, vector<256x2048xf32>
    %select_n3A_152 = arith.select %eq3A_150, %select_n3A_39, %select_n3A_112 : vector<256x2048xi1>, vector<256x2048xi32>
    %jit3A_153 = arith.constant 0x7F800000 : f32
    %broadcast_in_dim3A_154 = vector.broadcast %jit3A_153 : f32 to vector<256x2048xf32>
    %select_n3A_155 = arith.select %eq3A_150, %broadcast_in_dim3A_154, %select_n3A_115 : vector<256x2048xi1>, vector<256x2048xf32>
    %reduce_min3A_156 = arith.constant dense<0x7F800000> : vector<256xf32>
    %reduce_min3A_157 = vector.multi_reduction <minimumf>, %select_n3A_151, %reduce_min3A_156 [1] : vector<256x2048xf32> to vector<256xf32>
    %broadcast_in_dim3A_158 = vector.shape_cast %reduce_min3A_157 : vector<256xf32> to vector<256x1xf32>
    %eq3A_159 = vector.broadcast %broadcast_in_dim3A_158 : vector<256x1xf32> to vector<256x2048xf32>
    %eq3A_160 = arith.cmpf oeq, %select_n3A_151, %eq3A_159 : vector<256x2048xf32>
    %jit3A_161 = arith.constant 4096 : i32
    %broadcast_in_dim3A_162 = vector.broadcast %jit3A_161 : i32 to vector<256x2048xi32>
    %select_n3A_163 = arith.select %eq3A_160, %select_n3A_152, %broadcast_in_dim3A_162 : vector<256x2048xi1>, vector<256x2048xi32>
    %reduce_min3A_164 = arith.constant dense<2147483647> : vector<256xi32>
    %reduce_min3A_165 = vector.multi_reduction <minsi>, %select_n3A_163, %reduce_min3A_164 [1] : vector<256x2048xi32> to vector<256xi32>
    %broadcast_in_dim3A_166 = vector.shape_cast %reduce_min3A_165 : vector<256xi32> to vector<256x1xi32>
    %add3A_167 = vector.broadcast %mul3A_27 : i32 to vector<256x1xi32>
    %add3A_168 = arith.addi %broadcast_in_dim3A_166, %add3A_167 : vector<256x1xi32>
    %swap3A_169 = arith.constant 0 : index
    %swap3A_170 = arith.constant 0 : index
    %swap3A_171 = arith.constant 3 : index
    %swap3A_172 = vector.load %arg4[%swap3A_169, %swap3A_170, %swap3A_171] : memref<1x256x8xi32, #tpu.memory_space<vmem>>, vector<1x256x1xi32>
    %swap3A_173 = vector.shape_cast %swap3A_172 : vector<1x256x1xi32> to vector<256x1xi32>
    %swap3A_174 = vector.shape_cast %add3A_168 : vector<256x1xi32> to vector<1x256x1xi32>
    tpu.vector_store %arg4[%swap3A_169, %swap3A_170, %swap3A_171], %swap3A_174 {strides = array<i32>} : memref<1x256x8xi32, #tpu.memory_space<vmem>>, vector<1x256x1xi32>,
    %lt3A_175 = arith.constant 0x7F800000 : f32
    %lt3A_176 = vector.broadcast %lt3A_175 : f32 to vector<256x1xf32>
    %lt3A_177 = arith.cmpf olt, %broadcast_in_dim3A_158, %lt3A_176 : vector<256x1xf32>
    %jit3A_178 = arith.constant 1.000000e+00 : f32
    %jit3A_179 = arith.constant 0.000000e+00 : f32
    %broadcast_in_dim3A_180 = vector.broadcast %jit3A_178 : f32 to vector<256x1xf32>
    %broadcast_in_dim3A_181 = vector.broadcast %jit3A_179 : f32 to vector<256x1xf32>
    %select_n3A_182 = arith.select %lt3A_177, %broadcast_in_dim3A_180, %broadcast_in_dim3A_181 : vector<256x1xi1>, vector<256x1xf32>
    %swap3A_183 = arith.constant 0 : index
    %swap3A_184 = arith.constant 0 : index
    %swap3A_185 = arith.constant 3 : index
    %swap3A_186 = vector.load %arg5[%swap3A_183, %swap3A_184, %swap3A_185] : memref<1x256x8xf32, #tpu.memory_space<vmem>>, vector<1x256x1xf32>
    %swap3A_187 = vector.shape_cast %swap3A_186 : vector<1x256x1xf32> to vector<256x1xf32>
    %swap3A_188 = vector.shape_cast %select_n3A_182 : vector<256x1xf32> to vector<1x256x1xf32>
    tpu.vector_store %arg5[%swap3A_183, %swap3A_184, %swap3A_185], %swap3A_188 {strides = array<i32>} : memref<1x256x8xf32, #tpu.memory_space<vmem>>, vector<1x256x1xf32>,
    %eq3A_189 = vector.broadcast %broadcast_in_dim3A_166 : vector<256x1xi32> to vector<256x2048xi32>
    %eq3A_190 = arith.cmpi eq, %select_n3A_152, %eq3A_189 : vector<256x2048xi32>
    %select_n3A_191 = arith.select %eq3A_190, %select_n3A_155, %select_n3A_151 : vector<256x2048xi1>, vector<256x2048xf32>
    %select_n3A_192 = arith.select %eq3A_190, %select_n3A_39, %select_n3A_152 : vector<256x2048xi1>, vector<256x2048xi32>
    %jit3A_193 = arith.constant 0x7F800000 : f32
    %broadcast_in_dim3A_194 = vector.broadcast %jit3A_193 : f32 to vector<256x2048xf32>
    %select_n3A_195 = arith.select %eq3A_190, %broadcast_in_dim3A_194, %select_n3A_155 : vector<256x2048xi1>, vector<256x2048xf32>
    %reduce_min3A_196 = arith.constant dense<0x7F800000> : vector<256xf32>
    %reduce_min3A_197 = vector.multi_reduction <minimumf>, %select_n3A_191, %reduce_min3A_196 [1] : vector<256x2048xf32> to vector<256xf32>
    %broadcast_in_dim3A_198 = vector.shape_cast %reduce_min3A_197 : vector<256xf32> to vector<256x1xf32>
    %eq3A_199 = vector.broadcast %broadcast_in_dim3A_198 : vector<256x1xf32> to vector<256x2048xf32>
    %eq3A_200 = arith.cmpf oeq, %select_n3A_191, %eq3A_199 : vector<256x2048xf32>
    %jit3A_201 = arith.constant 4096 : i32
    %broadcast_in_dim3A_202 = vector.broadcast %jit3A_201 : i32 to vector<256x2048xi32>
    %select_n3A_203 = arith.select %eq3A_200, %select_n3A_192, %broadcast_in_dim3A_202 : vector<256x2048xi1>, vector<256x2048xi32>
    %reduce_min3A_204 = arith.constant dense<2147483647> : vector<256xi32>
    %reduce_min3A_205 = vector.multi_reduction <minsi>, %select_n3A_203, %reduce_min3A_204 [1] : vector<256x2048xi32> to vector<256xi32>
    %broadcast_in_dim3A_206 = vector.shape_cast %reduce_min3A_205 : vector<256xi32> to vector<256x1xi32>
    %add3A_207 = vector.broadcast %mul3A_27 : i32 to vector<256x1xi32>
    %add3A_208 = arith.addi %broadcast_in_dim3A_206, %add3A_207 : vector<256x1xi32>
    %swap3A_209 = arith.constant 0 : index
    %swap3A_210 = arith.constant 0 : index
    %swap3A_211 = arith.constant 4 : index
    %swap3A_212 = vector.load %arg4[%swap3A_209, %swap3A_210, %swap3A_211] : memref<1x256x8xi32, #tpu.memory_space<vmem>>, vector<1x256x1xi32>
    %swap3A_213 = vector.shape_cast %swap3A_212 : vector<1x256x1xi32> to vector<256x1xi32>
    %swap3A_214 = vector.shape_cast %add3A_208 : vector<256x1xi32> to vector<1x256x1xi32>
    tpu.vector_store %arg4[%swap3A_209, %swap3A_210, %swap3A_211], %swap3A_214 {strides = array<i32>} : memref<1x256x8xi32, #tpu.memory_space<vmem>>, vector<1x256x1xi32>,
    %lt3A_215 = arith.constant 0x7F800000 : f32
    %lt3A_216 = vector.broadcast %lt3A_215 : f32 to vector<256x1xf32>
    %lt3A_217 = arith.cmpf olt, %broadcast_in_dim3A_198, %lt3A_216 : vector<256x1xf32>
    %jit3A_218 = arith.constant 1.000000e+00 : f32
    %jit3A_219 = arith.constant 0.000000e+00 : f32
    %broadcast_in_dim3A_220 = vector.broadcast %jit3A_218 : f32 to vector<256x1xf32>
    %broadcast_in_dim3A_221 = vector.broadcast %jit3A_219 : f32 to vector<256x1xf32>
    %select_n3A_222 = arith.select %lt3A_217, %broadcast_in_dim3A_220, %broadcast_in_dim3A_221 : vector<256x1xi1>, vector<256x1xf32>
    %swap3A_223 = arith.constant 0 : index
    %swap3A_224 = arith.constant 0 : index
    %swap3A_225 = arith.constant 4 : index
    %swap3A_226 = vector.load %arg5[%swap3A_223, %swap3A_224, %swap3A_225] : memref<1x256x8xf32, #tpu.memory_space<vmem>>, vector<1x256x1xf32>
    %swap3A_227 = vector.shape_cast %swap3A_226 : vector<1x256x1xf32> to vector<256x1xf32>
    %swap3A_228 = vector.shape_cast %select_n3A_222 : vector<256x1xf32> to vector<1x256x1xf32>
    tpu.vector_store %arg5[%swap3A_223, %swap3A_224, %swap3A_225], %swap3A_228 {strides = array<i32>} : memref<1x256x8xf32, #tpu.memory_space<vmem>>, vector<1x256x1xf32>,
    %eq3A_229 = vector.broadcast %broadcast_in_dim3A_206 : vector<256x1xi32> to vector<256x2048xi32>
    %eq3A_230 = arith.cmpi eq, %select_n3A_192, %eq3A_229 : vector<256x2048xi32>
    %select_n3A_231 = arith.select %eq3A_230, %select_n3A_195, %select_n3A_191 : vector<256x2048xi1>, vector<256x2048xf32>
    %select_n3A_232 = arith.select %eq3A_230, %select_n3A_39, %select_n3A_192 : vector<256x2048xi1>, vector<256x2048xi32>
    %jit3A_233 = arith.constant 0x7F800000 : f32
    %broadcast_in_dim3A_234 = vector.broadcast %jit3A_233 : f32 to vector<256x2048xf32>
    %select_n3A_235 = arith.select %eq3A_230, %broadcast_in_dim3A_234, %select_n3A_195 : vector<256x2048xi1>, vector<256x2048xf32>
    %reduce_min3A_236 = arith.constant dense<0x7F800000> : vector<256xf32>
    %reduce_min3A_237 = vector.multi_reduction <minimumf>, %select_n3A_231, %reduce_min3A_236 [1] : vector<256x2048xf32> to vector<256xf32>
    %broadcast_in_dim3A_238 = vector.shape_cast %reduce_min3A_237 : vector<256xf32> to vector<256x1xf32>
    %eq3A_239 = vector.broadcast %broadcast_in_dim3A_238 : vector<256x1xf32> to vector<256x2048xf32>
    %eq3A_240 = arith.cmpf oeq, %select_n3A_231, %eq3A_239 : vector<256x2048xf32>
    %jit3A_241 = arith.constant 4096 : i32
    %broadcast_in_dim3A_242 = vector.broadcast %jit3A_241 : i32 to vector<256x2048xi32>
    %select_n3A_243 = arith.select %eq3A_240, %select_n3A_232, %broadcast_in_dim3A_242 : vector<256x2048xi1>, vector<256x2048xi32>
    %reduce_min3A_244 = arith.constant dense<2147483647> : vector<256xi32>
    %reduce_min3A_245 = vector.multi_reduction <minsi>, %select_n3A_243, %reduce_min3A_244 [1] : vector<256x2048xi32> to vector<256xi32>
    %broadcast_in_dim3A_246 = vector.shape_cast %reduce_min3A_245 : vector<256xi32> to vector<256x1xi32>
    %add3A_247 = vector.broadcast %mul3A_27 : i32 to vector<256x1xi32>
    %add3A_248 = arith.addi %broadcast_in_dim3A_246, %add3A_247 : vector<256x1xi32>
    %swap3A_249 = arith.constant 0 : index
    %swap3A_250 = arith.constant 0 : index
    %swap3A_251 = arith.constant 5 : index
    %swap3A_252 = vector.load %arg4[%swap3A_249, %swap3A_250, %swap3A_251] : memref<1x256x8xi32, #tpu.memory_space<vmem>>, vector<1x256x1xi32>
    %swap3A_253 = vector.shape_cast %swap3A_252 : vector<1x256x1xi32> to vector<256x1xi32>
    %swap3A_254 = vector.shape_cast %add3A_248 : vector<256x1xi32> to vector<1x256x1xi32>
    tpu.vector_store %arg4[%swap3A_249, %swap3A_250, %swap3A_251], %swap3A_254 {strides = array<i32>} : memref<1x256x8xi32, #tpu.memory_space<vmem>>, vector<1x256x1xi32>,
    %lt3A_255 = arith.constant 0x7F800000 : f32
    %lt3A_256 = vector.broadcast %lt3A_255 : f32 to vector<256x1xf32>
    %lt3A_257 = arith.cmpf olt, %broadcast_in_dim3A_238, %lt3A_256 : vector<256x1xf32>
    %jit3A_258 = arith.constant 1.000000e+00 : f32
    %jit3A_259 = arith.constant 0.000000e+00 : f32
    %broadcast_in_dim3A_260 = vector.broadcast %jit3A_258 : f32 to vector<256x1xf32>
    %broadcast_in_dim3A_261 = vector.broadcast %jit3A_259 : f32 to vector<256x1xf32>
    %select_n3A_262 = arith.select %lt3A_257, %broadcast_in_dim3A_260, %broadcast_in_dim3A_261 : vector<256x1xi1>, vector<256x1xf32>
    %swap3A_263 = arith.constant 0 : index
    %swap3A_264 = arith.constant 0 : index
    %swap3A_265 = arith.constant 5 : index
    %swap3A_266 = vector.load %arg5[%swap3A_263, %swap3A_264, %swap3A_265] : memref<1x256x8xf32, #tpu.memory_space<vmem>>, vector<1x256x1xf32>
    %swap3A_267 = vector.shape_cast %swap3A_266 : vector<1x256x1xf32> to vector<256x1xf32>
    %swap3A_268 = vector.shape_cast %select_n3A_262 : vector<256x1xf32> to vector<1x256x1xf32>
    tpu.vector_store %arg5[%swap3A_263, %swap3A_264, %swap3A_265], %swap3A_268 {strides = array<i32>} : memref<1x256x8xf32, #tpu.memory_space<vmem>>, vector<1x256x1xf32>,
    %eq3A_269 = vector.broadcast %broadcast_in_dim3A_246 : vector<256x1xi32> to vector<256x2048xi32>
    %eq3A_270 = arith.cmpi eq, %select_n3A_232, %eq3A_269 : vector<256x2048xi32>
    %select_n3A_271 = arith.select %eq3A_270, %select_n3A_235, %select_n3A_231 : vector<256x2048xi1>, vector<256x2048xf32>
    %select_n3A_272 = arith.select %eq3A_270, %select_n3A_39, %select_n3A_232 : vector<256x2048xi1>, vector<256x2048xi32>
    %jit3A_273 = arith.constant 0x7F800000 : f32
    %broadcast_in_dim3A_274 = vector.broadcast %jit3A_273 : f32 to vector<256x2048xf32>
    %select_n3A_275 = arith.select %eq3A_270, %broadcast_in_dim3A_274, %select_n3A_235 : vector<256x2048xi1>, vector<256x2048xf32>
    %reduce_min3A_276 = arith.constant dense<0x7F800000> : vector<256xf32>
    %reduce_min3A_277 = vector.multi_reduction <minimumf>, %select_n3A_271, %reduce_min3A_276 [1] : vector<256x2048xf32> to vector<256xf32>
    %broadcast_in_dim3A_278 = vector.shape_cast %reduce_min3A_277 : vector<256xf32> to vector<256x1xf32>
    %eq3A_279 = vector.broadcast %broadcast_in_dim3A_278 : vector<256x1xf32> to vector<256x2048xf32>
    %eq3A_280 = arith.cmpf oeq, %select_n3A_271, %eq3A_279 : vector<256x2048xf32>
    %jit3A_281 = arith.constant 4096 : i32
    %broadcast_in_dim3A_282 = vector.broadcast %jit3A_281 : i32 to vector<256x2048xi32>
    %select_n3A_283 = arith.select %eq3A_280, %select_n3A_272, %broadcast_in_dim3A_282 : vector<256x2048xi1>, vector<256x2048xi32>
    %reduce_min3A_284 = arith.constant dense<2147483647> : vector<256xi32>
    %reduce_min3A_285 = vector.multi_reduction <minsi>, %select_n3A_283, %reduce_min3A_284 [1] : vector<256x2048xi32> to vector<256xi32>
    %broadcast_in_dim3A_286 = vector.shape_cast %reduce_min3A_285 : vector<256xi32> to vector<256x1xi32>
    %add3A_287 = vector.broadcast %mul3A_27 : i32 to vector<256x1xi32>
    %add3A_288 = arith.addi %broadcast_in_dim3A_286, %add3A_287 : vector<256x1xi32>
    %swap3A_289 = arith.constant 0 : index
    %swap3A_290 = arith.constant 0 : index
    %swap3A_291 = arith.constant 6 : index
    %swap3A_292 = vector.load %arg4[%swap3A_289, %swap3A_290, %swap3A_291] : memref<1x256x8xi32, #tpu.memory_space<vmem>>, vector<1x256x1xi32>
    %swap3A_293 = vector.shape_cast %swap3A_292 : vector<1x256x1xi32> to vector<256x1xi32>
    %swap3A_294 = vector.shape_cast %add3A_288 : vector<256x1xi32> to vector<1x256x1xi32>
    tpu.vector_store %arg4[%swap3A_289, %swap3A_290, %swap3A_291], %swap3A_294 {strides = array<i32>} : memref<1x256x8xi32, #tpu.memory_space<vmem>>, vector<1x256x1xi32>,
    %lt3A_295 = arith.constant 0x7F800000 : f32
    %lt3A_296 = vector.broadcast %lt3A_295 : f32 to vector<256x1xf32>
    %lt3A_297 = arith.cmpf olt, %broadcast_in_dim3A_278, %lt3A_296 : vector<256x1xf32>
    %jit3A_298 = arith.constant 1.000000e+00 : f32
    %jit3A_299 = arith.constant 0.000000e+00 : f32
    %broadcast_in_dim3A_300 = vector.broadcast %jit3A_298 : f32 to vector<256x1xf32>
    %broadcast_in_dim3A_301 = vector.broadcast %jit3A_299 : f32 to vector<256x1xf32>
    %select_n3A_302 = arith.select %lt3A_297, %broadcast_in_dim3A_300, %broadcast_in_dim3A_301 : vector<256x1xi1>, vector<256x1xf32>
    %swap3A_303 = arith.constant 0 : index
    %swap3A_304 = arith.constant 0 : index
    %swap3A_305 = arith.constant 6 : index
    %swap3A_306 = vector.load %arg5[%swap3A_303, %swap3A_304, %swap3A_305] : memref<1x256x8xf32, #tpu.memory_space<vmem>>, vector<1x256x1xf32>
    %swap3A_307 = vector.shape_cast %swap3A_306 : vector<1x256x1xf32> to vector<256x1xf32>
    %swap3A_308 = vector.shape_cast %select_n3A_302 : vector<256x1xf32> to vector<1x256x1xf32>
    tpu.vector_store %arg5[%swap3A_303, %swap3A_304, %swap3A_305], %swap3A_308 {strides = array<i32>} : memref<1x256x8xf32, #tpu.memory_space<vmem>>, vector<1x256x1xf32>,
    %eq3A_309 = vector.broadcast %broadcast_in_dim3A_286 : vector<256x1xi32> to vector<256x2048xi32>
    %eq3A_310 = arith.cmpi eq, %select_n3A_272, %eq3A_309 : vector<256x2048xi32>
    %select_n3A_311 = arith.select %eq3A_310, %select_n3A_275, %select_n3A_271 : vector<256x2048xi1>, vector<256x2048xf32>
    %select_n3A_312 = arith.select %eq3A_310, %select_n3A_39, %select_n3A_272 : vector<256x2048xi1>, vector<256x2048xi32>
    %reduce_min3A_313 = arith.constant dense<0x7F800000> : vector<256xf32>
    %reduce_min3A_314 = vector.multi_reduction <minimumf>, %select_n3A_311, %reduce_min3A_313 [1] : vector<256x2048xf32> to vector<256xf32>
    %broadcast_in_dim3A_315 = vector.shape_cast %reduce_min3A_314 : vector<256xf32> to vector<256x1xf32>
    %eq3A_316 = vector.broadcast %broadcast_in_dim3A_315 : vector<256x1xf32> to vector<256x2048xf32>
    %eq3A_317 = arith.cmpf oeq, %select_n3A_311, %eq3A_316 : vector<256x2048xf32>
    %jit3A_318 = arith.constant 4096 : i32
    %broadcast_in_dim3A_319 = vector.broadcast %jit3A_318 : i32 to vector<256x2048xi32>
    %select_n3A_320 = arith.select %eq3A_317, %select_n3A_312, %broadcast_in_dim3A_319 : vector<256x2048xi1>, vector<256x2048xi32>
    %reduce_min3A_321 = arith.constant dense<2147483647> : vector<256xi32>
    %reduce_min3A_322 = vector.multi_reduction <minsi>, %select_n3A_320, %reduce_min3A_321 [1] : vector<256x2048xi32> to vector<256xi32>
    %broadcast_in_dim3A_323 = vector.shape_cast %reduce_min3A_322 : vector<256xi32> to vector<256x1xi32>
    %add3A_324 = vector.broadcast %mul3A_27 : i32 to vector<256x1xi32>
    %add3A_325 = arith.addi %broadcast_in_dim3A_323, %add3A_324 : vector<256x1xi32>
    %swap3A_326 = arith.constant 0 : index
    %swap3A_327 = arith.constant 0 : index
    %swap3A_328 = arith.constant 7 : index
    %swap3A_329 = vector.load %arg4[%swap3A_326, %swap3A_327, %swap3A_328] : memref<1x256x8xi32, #tpu.memory_space<vmem>>, vector<1x256x1xi32>
    %swap3A_330 = vector.shape_cast %swap3A_329 : vector<1x256x1xi32> to vector<256x1xi32>
    %swap3A_331 = vector.shape_cast %add3A_325 : vector<256x1xi32> to vector<1x256x1xi32>
    tpu.vector_store %arg4[%swap3A_326, %swap3A_327, %swap3A_328], %swap3A_331 {strides = array<i32>} : memref<1x256x8xi32, #tpu.memory_space<vmem>>, vector<1x256x1xi32>,
    %lt3A_332 = arith.constant 0x7F800000 : f32
    %lt3A_333 = vector.broadcast %lt3A_332 : f32 to vector<256x1xf32>
    %lt3A_334 = arith.cmpf olt, %broadcast_in_dim3A_315, %lt3A_333 : vector<256x1xf32>
    %jit3A_335 = arith.constant 1.000000e+00 : f32
    %jit3A_336 = arith.constant 0.000000e+00 : f32
    %broadcast_in_dim3A_337 = vector.broadcast %jit3A_335 : f32 to vector<256x1xf32>
    %broadcast_in_dim3A_338 = vector.broadcast %jit3A_336 : f32 to vector<256x1xf32>
    %select_n3A_339 = arith.select %lt3A_334, %broadcast_in_dim3A_337, %broadcast_in_dim3A_338 : vector<256x1xi1>, vector<256x1xf32>
    %swap3A_340 = arith.constant 0 : index
    %swap3A_341 = arith.constant 0 : index
    %swap3A_342 = arith.constant 7 : index
    %swap3A_343 = vector.load %arg5[%swap3A_340, %swap3A_341, %swap3A_342] : memref<1x256x8xf32, #tpu.memory_space<vmem>>, vector<1x256x1xf32>
    %swap3A_344 = vector.shape_cast %swap3A_343 : vector<1x256x1xf32> to vector<256x1xf32>
    %swap3A_345 = vector.shape_cast %select_n3A_339 : vector<256x1xf32> to vector<1x256x1xf32>
    tpu.vector_store %arg5[%swap3A_340, %swap3A_341, %swap3A_342], %swap3A_345 {strides = array<i32>} : memref<1x256x8xf32, #tpu.memory_space<vmem>>, vector<1x256x1xf32>,
    return
  }
  func.func @transform_0(%arg0: i32, %arg1: i32) -> (i32, i32, i32) {
    %c0_i32 = arith.constant 0 : i32
    %c0_i32_0 = arith.constant 0 : i32
    return %arg0, %arg1, %c0_i32 : i32, i32, i32
  }
  func.func @transform_1(%arg0: i32, %arg1: i32) -> (i32, i32, i32) {
    %c0_i32 = arith.constant 0 : i32
    %c0_i32_0 = arith.constant 0 : i32
    %c0_i32_1 = arith.constant 0 : i32
    return %arg0, %c0_i32, %c0_i32_0 : i32, i32, i32
  }
  func.func @transform_2(%arg0: i32, %arg1: i32) -> (i32, i32, i32) {
    %c0_i32 = arith.constant 0 : i32
    %c0_i32_0 = arith.constant 0 : i32
    return %arg0, %arg1, %c0_i32 : i32, i32, i32
  }
  func.func @transform_3(%arg0: i32, %arg1: i32) -> (i32, i32, i32) {
    %c0_i32 = arith.constant 0 : i32
    %c0_i32_0 = arith.constant 0 : i32
    return %arg0, %arg1, %c0_i32 : i32, i32, i32
  }
}

module attributes {stable_mosaic.version = 14 : i64} {
  func.func @_proj_kv_body(%arg0: i32, %arg1: memref<2048x256xf32, #tpu.memory_space<vmem>>, %arg2: memref<2048x3xf32, #tpu.memory_space<vmem>>, %arg3: memref<256x256xf32, #tpu.memory_space<vmem>>, %arg4: memref<256x256xf32, #tpu.memory_space<vmem>>, %arg5: memref<3x256xf32, #tpu.memory_space<vmem>>, %arg6: memref<1x256xf32, #tpu.memory_space<vmem>>, %arg7: memref<1x256xf32, #tpu.memory_space<vmem>>, %arg8: memref<2048x256xf32, #tpu.memory_space<vmem>>, %arg9: memref<2048x256xf32, #tpu.memory_space<vmem>>) attributes {dimension_semantics = [#tpu.dimension_semantics<arbitrary>], iteration_bounds = array<i64: 8>, scalar_prefetch = 0 : i64, scratch_operands = 0 : i64, tpu.core_type = #tpu.core_type<tc>, window_params = [{transform_indices = @transform_0, window_bounds = array<i64: 2048, 256>}, {transform_indices = @transform_1, window_bounds = array<i64: 2048, 3>}, {pipeline_mode = #tpu.pipeline_mode<synchronous>, transform_indices = @transform_2, window_bounds = array<i64: 256, 256>}, {pipeline_mode = #tpu.pipeline_mode<synchronous>, transform_indices = @transform_3, window_bounds = array<i64: 256, 256>}, {pipeline_mode = #tpu.pipeline_mode<synchronous>, transform_indices = @transform_4, window_bounds = array<i64: 3, 256>}, {pipeline_mode = #tpu.pipeline_mode<synchronous>, transform_indices = @transform_5, window_bounds = array<i64: 1, 256>}, {pipeline_mode = #tpu.pipeline_mode<synchronous>, transform_indices = @transform_6, window_bounds = array<i64: 1, 256>}, {transform_indices = @transform_7, window_bounds = array<i64: 2048, 256>}, {transform_indices = @transform_8, window_bounds = array<i64: 2048, 256>}]} {
    %get3A = arith.constant 0 : index
    %get3A_0 = arith.constant 0 : index
    %get3A_1 = vector.load %arg1[%get3A, %get3A_0] : memref<2048x256xf32, #tpu.memory_space<vmem>>, vector<2048x256xf32>
    %get3A_2 = arith.constant 0 : index
    %get3A_3 = arith.constant 0 : index
    %get3A_4 = vector.load %arg2[%get3A_2, %get3A_3] : memref<2048x3xf32, #tpu.memory_space<vmem>>, vector<2048x3xf32>
    %get3A_5 = arith.constant 0 : index
    %get3A_6 = arith.constant 0 : index
    %get3A_7 = vector.load %arg3[%get3A_5, %get3A_6] : memref<256x256xf32, #tpu.memory_space<vmem>>, vector<256x256xf32>
    %dot_general3A = arith.constant dense<0.000000e+00> : vector<2048x256xf32>
    %dot_general3A_8 = tpu.matmul %get3A_1, %get3A_7, %dot_general3A {dimension_numbers = #tpu.dot_dimension_numbers<[1], [0], [0], [1], [0, 0, 1, 1], [], []>, transpose_lhs_hint = false} : vector<2048x256xf32>, vector<256x256xf32>, vector<2048x256xf32> -> vector<2048x256xf32>
    %get3A_9 = arith.constant 0 : index
    %get3A_10 = arith.constant 0 : index
    %get3A_11 = vector.load %arg5[%get3A_9, %get3A_10] : memref<3x256xf32, #tpu.memory_space<vmem>>, vector<3x256xf32>
    %dot_general3A_12 = arith.constant dense<0.000000e+00> : vector<2048x256xf32>
    %dot_general3A_13 = tpu.matmul %get3A_4, %get3A_11, %dot_general3A_12 {dimension_numbers = #tpu.dot_dimension_numbers<[1], [0], [0], [1], [0, 0, 1, 1], [], []>, transpose_lhs_hint = false} : vector<2048x3xf32>, vector<3x256xf32>, vector<2048x256xf32> -> vector<2048x256xf32>
    %add3A = arith.addf %dot_general3A_8, %dot_general3A_13 : vector<2048x256xf32>
    %get3A_14 = arith.constant 0 : index
    %get3A_15 = arith.constant 0 : index
    %get3A_16 = vector.load %arg6[%get3A_14, %get3A_15] : memref<1x256xf32, #tpu.memory_space<vmem>>, vector<1x256xf32>
    %add3A_17 = vector.broadcast %get3A_16 : vector<1x256xf32> to vector<2048x256xf32>
    %add3A_18 = arith.addf %add3A, %add3A_17 : vector<2048x256xf32>
    %swap3A = arith.constant 0 : index
    %swap3A_19 = arith.constant 0 : index
    %swap3A_20 = vector.load %arg8[%swap3A, %swap3A_19] : memref<2048x256xf32, #tpu.memory_space<vmem>>, vector<2048x256xf32>
    tpu.vector_store %arg8[%swap3A, %swap3A_19], %add3A_18 {strides = array<i32>} : memref<2048x256xf32, #tpu.memory_space<vmem>>, vector<2048x256xf32>,
    %get3A_21 = arith.constant 0 : index
    %get3A_22 = arith.constant 0 : index
    %get3A_23 = vector.load %arg4[%get3A_21, %get3A_22] : memref<256x256xf32, #tpu.memory_space<vmem>>, vector<256x256xf32>
    %dot_general3A_24 = arith.constant dense<0.000000e+00> : vector<2048x256xf32>
    %dot_general3A_25 = tpu.matmul %get3A_1, %get3A_23, %dot_general3A_24 {dimension_numbers = #tpu.dot_dimension_numbers<[1], [0], [0], [1], [0, 0, 1, 1], [], []>, transpose_lhs_hint = false} : vector<2048x256xf32>, vector<256x256xf32>, vector<2048x256xf32> -> vector<2048x256xf32>
    %get3A_26 = arith.constant 0 : index
    %get3A_27 = arith.constant 0 : index
    %get3A_28 = vector.load %arg7[%get3A_26, %get3A_27] : memref<1x256xf32, #tpu.memory_space<vmem>>, vector<1x256xf32>
    %add3A_29 = vector.broadcast %get3A_28 : vector<1x256xf32> to vector<2048x256xf32>
    %add3A_30 = arith.addf %dot_general3A_25, %add3A_29 : vector<2048x256xf32>
    %swap3A_31 = arith.constant 0 : index
    %swap3A_32 = arith.constant 0 : index
    %swap3A_33 = vector.load %arg9[%swap3A_31, %swap3A_32] : memref<2048x256xf32, #tpu.memory_space<vmem>>, vector<2048x256xf32>
    tpu.vector_store %arg9[%swap3A_31, %swap3A_32], %add3A_30 {strides = array<i32>} : memref<2048x256xf32, #tpu.memory_space<vmem>>, vector<2048x256xf32>,
    return
  }
  func.func @transform_0(%arg0: i32) -> (i32, i32) {
    %c0_i32 = arith.constant 0 : i32
    %c0_i32_0 = arith.constant 0 : i32
    return %arg0, %c0_i32 : i32, i32
  }
  func.func @transform_1(%arg0: i32) -> (i32, i32) {
    %c0_i32 = arith.constant 0 : i32
    %c0_i32_0 = arith.constant 0 : i32
    return %arg0, %c0_i32 : i32, i32
  }
  func.func @transform_2(%arg0: i32) -> (i32, i32) {
    %c0_i32 = arith.constant 0 : i32
    %c0_i32_0 = arith.constant 0 : i32
    %c0_i32_1 = arith.constant 0 : i32
    return %c0_i32, %c0_i32_0 : i32, i32
  }
  func.func @transform_3(%arg0: i32) -> (i32, i32) {
    %c0_i32 = arith.constant 0 : i32
    %c0_i32_0 = arith.constant 0 : i32
    %c0_i32_1 = arith.constant 0 : i32
    return %c0_i32, %c0_i32_0 : i32, i32
  }
  func.func @transform_4(%arg0: i32) -> (i32, i32) {
    %c0_i32 = arith.constant 0 : i32
    %c0_i32_0 = arith.constant 0 : i32
    %c0_i32_1 = arith.constant 0 : i32
    return %c0_i32, %c0_i32_0 : i32, i32
  }
  func.func @transform_5(%arg0: i32) -> (i32, i32) {
    %c0_i32 = arith.constant 0 : i32
    %c0_i32_0 = arith.constant 0 : i32
    %c0_i32_1 = arith.constant 0 : i32
    return %c0_i32, %c0_i32_0 : i32, i32
  }
  func.func @transform_6(%arg0: i32) -> (i32, i32) {
    %c0_i32 = arith.constant 0 : i32
    %c0_i32_0 = arith.constant 0 : i32
    %c0_i32_1 = arith.constant 0 : i32
    return %c0_i32, %c0_i32_0 : i32, i32
  }
  func.func @transform_7(%arg0: i32) -> (i32, i32) {
    %c0_i32 = arith.constant 0 : i32
    %c0_i32_0 = arith.constant 0 : i32
    return %arg0, %c0_i32 : i32, i32
  }
  func.func @transform_8(%arg0: i32) -> (i32, i32) {
    %c0_i32 = arith.constant 0 : i32
    %c0_i32_0 = arith.constant 0 : i32
    return %arg0, %c0_i32 : i32, i32
  }
}

module attributes {stable_mosaic.version = 14 : i64} {
  func.func @_attn_body(%arg0: i32, %arg1: memref<256x256xf32, #tpu.memory_space<vmem>>, %arg2: memref<256x3xf32, #tpu.memory_space<vmem>>, %arg3: memref<256x2048xf32, #tpu.memory_space<vmem>>, %arg4: memref<256x2048xf32, #tpu.memory_space<vmem>>, %arg5: memref<256x128xf32, #tpu.memory_space<vmem>>, %arg6: memref<1x128xf32, #tpu.memory_space<vmem>>, %arg7: memref<2048x128xf32, #tpu.memory_space<vmem>>, %arg8: memref<256x128xf32, #tpu.memory_space<vmem>>, %arg9: memref<128x128xf32, #tpu.memory_space<vmem>>, %arg10: memref<128x128xf32, #tpu.memory_space<vmem>>, %arg11: memref<128x2048xf32, #tpu.memory_space<vmem>>, %arg12: memref<128x256xf32, #tpu.memory_space<vmem>>, %arg13: memref<256x256xf32, #tpu.memory_space<vmem>>, %arg14: memref<256x256xf32, #tpu.memory_space<vmem>>, %arg15: memref<256x256xf32, #tpu.memory_space<vmem>>, %arg16: memref<3x256xf32, #tpu.memory_space<vmem>>, %arg17: memref<3x256xf32, #tpu.memory_space<vmem>>, %arg18: memref<1x256xf32, #tpu.memory_space<vmem>>, %arg19: memref<1x256xf32, #tpu.memory_space<vmem>>, %arg20: memref<1x256xf32, #tpu.memory_space<vmem>>, %arg21: memref<256x256xf32, #tpu.memory_space<vmem>>, %arg22: memref<1x256xf32, #tpu.memory_space<vmem>>, %arg23: memref<1x256xf32, #tpu.memory_space<vmem>>, %arg24: memref<1x256xf32, #tpu.memory_space<vmem>>, %arg25: memref<1x256xf32, #tpu.memory_space<vmem>>, %arg26: memref<1x256xf32, #tpu.memory_space<vmem>>, %arg27: memref<256x1024xf32, #tpu.memory_space<vmem>>, %arg28: memref<1x1024xf32, #tpu.memory_space<vmem>>, %arg29: memref<1024x256xf32, #tpu.memory_space<vmem>>, %arg30: memref<1x256xf32, #tpu.memory_space<vmem>>, %arg31: memref<256x256xf32, #tpu.memory_space<vmem>>) attributes {dimension_semantics = [#tpu.dimension_semantics<arbitrary>], iteration_bounds = array<i64: 32>, scalar_prefetch = 0 : i64, scratch_operands = 0 : i64, tpu.core_type = #tpu.core_type<tc>, window_params = [{transform_indices = @transform_0, window_bounds = array<i64: 256, 256>}, {transform_indices = @transform_1, window_bounds = array<i64: 256, 3>}, {transform_indices = @transform_2, window_bounds = array<i64: 256, 2048>}, {transform_indices = @transform_3, window_bounds = array<i64: 256, 2048>}, {transform_indices = @transform_4, window_bounds = array<i64: 256, 128>}, {pipeline_mode = #tpu.pipeline_mode<synchronous>, transform_indices = @transform_5, window_bounds = array<i64: 1, 128>}, {pipeline_mode = #tpu.pipeline_mode<synchronous>, transform_indices = @transform_6, window_bounds = array<i64: 2048, 128>}, {pipeline_mode = #tpu.pipeline_mode<synchronous>, transform_indices = @transform_7, window_bounds = array<i64: 256, 128>}, {pipeline_mode = #tpu.pipeline_mode<synchronous>, transform_indices = @transform_8, window_bounds = array<i64: 128, 128>}, {pipeline_mode = #tpu.pipeline_mode<synchronous>, transform_indices = @transform_9, window_bounds = array<i64: 128, 128>}, {pipeline_mode = #tpu.pipeline_mode<synchronous>, transform_indices = @transform_10, window_bounds = array<i64: 128, 2048>}, {pipeline_mode = #tpu.pipeline_mode<synchronous>, transform_indices = @transform_11, window_bounds = array<i64: 128, 256>}, {pipeline_mode = #tpu.pipeline_mode<synchronous>, transform_indices = @transform_12, window_bounds = array<i64: 256, 256>}, {pipeline_mode = #tpu.pipeline_mode<synchronous>, transform_indices = @transform_13, window_bounds = array<i64: 256, 256>}, {pipeline_mode = #tpu.pipeline_mode<synchronous>, transform_indices = @transform_14, window_bounds = array<i64: 256, 256>}, {pipeline_mode = #tpu.pipeline_mode<synchronous>, transform_indices = @transform_15, window_bounds = array<i64: 3, 256>}, {pipeline_mode = #tpu.pipeline_mode<synchronous>, transform_indices = @transform_16, window_bounds = array<i64: 3, 256>}, {pipeline_mode = #tpu.pipeline_mode<synchronous>, transform_indices = @transform_17, window_bounds = array<i64: 1, 256>}, {pipeline_mode = #tpu.pipeline_mode<synchronous>, transform_indices = @transform_18, window_bounds = array<i64: 1, 256>}, {pipeline_mode = #tpu.pipeline_mode<synchronous>, transform_indices = @transform_19, window_bounds = array<i64: 1, 256>}, {pipeline_mode = #tpu.pipeline_mode<synchronous>, transform_indices = @transform_20, window_bounds = array<i64: 256, 256>}, {pipeline_mode = #tpu.pipeline_mode<synchronous>, transform_indices = @transform_21, window_bounds = array<i64: 1, 256>}, {pipeline_mode = #tpu.pipeline_mode<synchronous>, transform_indices = @transform_22, window_bounds = array<i64: 1, 256>}, {pipeline_mode = #tpu.pipeline_mode<synchronous>, transform_indices = @transform_23, window_bounds = array<i64: 1, 256>}, {pipeline_mode = #tpu.pipeline_mode<synchronous>, transform_indices = @transform_24, window_bounds = array<i64: 1, 256>}, {pipeline_mode = #tpu.pipeline_mode<synchronous>, transform_indices = @transform_25, window_bounds = array<i64: 1, 256>}, {pipeline_mode = #tpu.pipeline_mode<synchronous>, transform_indices = @transform_26, window_bounds = array<i64: 256, 1024>}, {pipeline_mode = #tpu.pipeline_mode<synchronous>, transform_indices = @transform_27, window_bounds = array<i64: 1, 1024>}, {pipeline_mode = #tpu.pipeline_mode<synchronous>, transform_indices = @transform_28, window_bounds = array<i64: 1024, 256>}, {pipeline_mode = #tpu.pipeline_mode<synchronous>, transform_indices = @transform_29, window_bounds = array<i64: 1, 256>}, {transform_indices = @transform_30, window_bounds = array<i64: 256, 256>}]} {
    %get3A = arith.constant 0 : index
    %get3A_0 = arith.constant 0 : index
    %get3A_1 = vector.load %arg1[%get3A, %get3A_0] : memref<256x256xf32, #tpu.memory_space<vmem>>, vector<256x256xf32>
    %get3A_2 = arith.constant 0 : index
    %get3A_3 = arith.constant 0 : index
    %get3A_4 = vector.load %arg2[%get3A_2, %get3A_3] : memref<256x3xf32, #tpu.memory_space<vmem>>, vector<256x3xf32>
    %get3A_5 = arith.constant 0 : index
    %get3A_6 = arith.constant 0 : index
    %get3A_7 = vector.load %arg13[%get3A_5, %get3A_6] : memref<256x256xf32, #tpu.memory_space<vmem>>, vector<256x256xf32>
    %dot_general3A = arith.constant dense<0.000000e+00> : vector<256x256xf32>
    %dot_general3A_8 = tpu.matmul %get3A_1, %get3A_7, %dot_general3A {dimension_numbers = #tpu.dot_dimension_numbers<[1], [0], [0], [1], [0, 0, 1, 1], [], []>, transpose_lhs_hint = false} : vector<256x256xf32>, vector<256x256xf32>, vector<256x256xf32> -> vector<256x256xf32>
    %get3A_9 = arith.constant 0 : index
    %get3A_10 = arith.constant 0 : index
    %get3A_11 = vector.load %arg16[%get3A_9, %get3A_10] : memref<3x256xf32, #tpu.memory_space<vmem>>, vector<3x256xf32>
    %dot_general3A_12 = arith.constant dense<0.000000e+00> : vector<256x256xf32>
    %dot_general3A_13 = tpu.matmul %get3A_4, %get3A_11, %dot_general3A_12 {dimension_numbers = #tpu.dot_dimension_numbers<[1], [0], [0], [1], [0, 0, 1, 1], [], []>, transpose_lhs_hint = false} : vector<256x3xf32>, vector<3x256xf32>, vector<256x256xf32> -> vector<256x256xf32>
    %add3A = arith.addf %dot_general3A_8, %dot_general3A_13 : vector<256x256xf32>
    %get3A_14 = arith.constant 0 : index
    %get3A_15 = arith.constant 0 : index
    %get3A_16 = vector.load %arg18[%get3A_14, %get3A_15] : memref<1x256xf32, #tpu.memory_space<vmem>>, vector<1x256xf32>
    %add3A_17 = vector.broadcast %get3A_16 : vector<1x256xf32> to vector<256x256xf32>
    %add3A_18 = arith.addf %add3A, %add3A_17 : vector<256x256xf32>
    %get3A_19 = arith.constant 0 : index
    %get3A_20 = arith.constant 0 : index
    %get3A_21 = vector.load %arg14[%get3A_19, %get3A_20] : memref<256x256xf32, #tpu.memory_space<vmem>>, vector<256x256xf32>
    %dot_general3A_22 = arith.constant dense<0.000000e+00> : vector<256x256xf32>
    %dot_general3A_23 = tpu.matmul %get3A_1, %get3A_21, %dot_general3A_22 {dimension_numbers = #tpu.dot_dimension_numbers<[1], [0], [0], [1], [0, 0, 1, 1], [], []>, transpose_lhs_hint = false} : vector<256x256xf32>, vector<256x256xf32>, vector<256x256xf32> -> vector<256x256xf32>
    %get3A_24 = arith.constant 0 : index
    %get3A_25 = arith.constant 0 : index
    %get3A_26 = vector.load %arg17[%get3A_24, %get3A_25] : memref<3x256xf32, #tpu.memory_space<vmem>>, vector<3x256xf32>
    %dot_general3A_27 = arith.constant dense<0.000000e+00> : vector<256x256xf32>
    %dot_general3A_28 = tpu.matmul %get3A_4, %get3A_26, %dot_general3A_27 {dimension_numbers = #tpu.dot_dimension_numbers<[1], [0], [0], [1], [0, 0, 1, 1], [], []>, transpose_lhs_hint = false} : vector<256x3xf32>, vector<3x256xf32>, vector<256x256xf32> -> vector<256x256xf32>
    %add3A_29 = arith.addf %dot_general3A_23, %dot_general3A_28 : vector<256x256xf32>
    %get3A_30 = arith.constant 0 : index
    %get3A_31 = arith.constant 0 : index
    %get3A_32 = vector.load %arg19[%get3A_30, %get3A_31] : memref<1x256xf32, #tpu.memory_space<vmem>>, vector<1x256xf32>
    %add3A_33 = vector.broadcast %get3A_32 : vector<1x256xf32> to vector<256x256xf32>
    %add3A_34 = arith.addf %add3A_29, %add3A_33 : vector<256x256xf32>
    %get3A_35 = arith.constant 0 : index
    %get3A_36 = arith.constant 0 : index
    %get3A_37 = vector.load %arg15[%get3A_35, %get3A_36] : memref<256x256xf32, #tpu.memory_space<vmem>>, vector<256x256xf32>
    %dot_general3A_38 = arith.constant dense<0.000000e+00> : vector<256x256xf32>
    %dot_general3A_39 = tpu.matmul %get3A_1, %get3A_37, %dot_general3A_38 {dimension_numbers = #tpu.dot_dimension_numbers<[1], [0], [0], [1], [0, 0, 1, 1], [], []>, transpose_lhs_hint = false} : vector<256x256xf32>, vector<256x256xf32>, vector<256x256xf32> -> vector<256x256xf32>
    %get3A_40 = arith.constant 0 : index
    %get3A_41 = arith.constant 0 : index
    %get3A_42 = vector.load %arg20[%get3A_40, %get3A_41] : memref<1x256xf32, #tpu.memory_space<vmem>>, vector<1x256xf32>
    %add3A_43 = vector.broadcast %get3A_42 : vector<1x256xf32> to vector<256x256xf32>
    %add3A_44 = arith.addf %dot_general3A_39, %add3A_43 : vector<256x256xf32>
    %get3A_45 = arith.constant 0 : index
    %get3A_46 = arith.constant 0 : index
    %get3A_47 = vector.load %arg3[%get3A_45, %get3A_46] : memref<256x2048xf32, #tpu.memory_space<vmem>>, vector<256x2048xf32>
    %get3A_48 = arith.constant 0 : index
    %get3A_49 = arith.constant 0 : index
    %get3A_50 = vector.load %arg4[%get3A_48, %get3A_49] : memref<256x2048xf32, #tpu.memory_space<vmem>>, vector<256x2048xf32>
    %concatenate3A = tpu.concatenate %add3A_18, %add3A_18, %add3A_18, %add3A_18, %add3A_18, %add3A_18, %add3A_18, %add3A_18 in 1 : vector<256x256xf32>, vector<256x256xf32>, vector<256x256xf32>, vector<256x256xf32>, vector<256x256xf32>, vector<256x256xf32>, vector<256x256xf32>, vector<256x256xf32> -> vector<256x2048xf32>
    %mul3A = arith.mulf %concatenate3A, %get3A_47 : vector<256x2048xf32>
    %get3A_51 = arith.constant 0 : index
    %get3A_52 = arith.constant 0 : index
    %get3A_53 = vector.load %arg7[%get3A_51, %get3A_52] : memref<2048x128xf32, #tpu.memory_space<vmem>>, vector<2048x128xf32>
    %dot_general3A_54 = arith.constant dense<0.000000e+00> : vector<256x128xf32>
    %dot_general3A_55 = tpu.matmul %mul3A, %get3A_53, %dot_general3A_54 {dimension_numbers = #tpu.dot_dimension_numbers<[1], [0], [0], [1], [0, 0, 1, 1], [], []>, transpose_lhs_hint = false} : vector<256x2048xf32>, vector<2048x128xf32>, vector<256x128xf32> -> vector<256x128xf32>
    %mul3A_56 = arith.constant 0.176776692 : f32
    %mul3A_57 = vector.broadcast %mul3A_56 : f32 to vector<256x128xf32>
    %mul3A_58 = arith.mulf %dot_general3A_55, %mul3A_57 : vector<256x128xf32>
    %get3A_59 = arith.constant 0 : index
    %get3A_60 = arith.constant 0 : index
    %get3A_61 = vector.load %arg5[%get3A_59, %get3A_60] : memref<256x128xf32, #tpu.memory_space<vmem>>, vector<256x128xf32>
    %gt3A = arith.constant 0.000000e+00 : f32
    %gt3A_62 = vector.broadcast %gt3A : f32 to vector<256x128xf32>
    %gt3A_63 = arith.cmpf ogt, %get3A_61, %gt3A_62 : vector<256x128xf32>
    %jit3A = arith.constant -1.000000e+09 : f32
    %broadcast_in_dim3A = vector.broadcast %jit3A : f32 to vector<256x128xf32>
    %select_n3A = arith.select %gt3A_63, %mul3A_58, %broadcast_in_dim3A : vector<256x128xi1>, vector<256x128xf32>
    %mul3A_64 = arith.mulf %add3A_18, %add3A_34 : vector<256x256xf32>
    %get3A_65 = arith.constant 0 : index
    %get3A_66 = arith.constant 0 : index
    %get3A_67 = vector.load %arg8[%get3A_65, %get3A_66] : memref<256x128xf32, #tpu.memory_space<vmem>>, vector<256x128xf32>
    %dot_general3A_68 = arith.constant dense<0.000000e+00> : vector<256x128xf32>
    %dot_general3A_69 = tpu.matmul %mul3A_64, %get3A_67, %dot_general3A_68 {dimension_numbers = #tpu.dot_dimension_numbers<[1], [0], [0], [1], [0, 0, 1, 1], [], []>, transpose_lhs_hint = false} : vector<256x256xf32>, vector<256x128xf32>, vector<256x128xf32> -> vector<256x128xf32>
    %mul3A_70 = arith.constant 0.176776692 : f32
    %mul3A_71 = vector.broadcast %mul3A_70 : f32 to vector<256x128xf32>
    %mul3A_72 = arith.mulf %dot_general3A_69, %mul3A_71 : vector<256x128xf32>
    %get3A_73 = arith.constant 0 : index
    %get3A_74 = arith.constant 0 : index
    %get3A_75 = vector.load %arg6[%get3A_73, %get3A_74] : memref<1x128xf32, #tpu.memory_space<vmem>>, vector<1x128xf32>
    %gt3A_76 = arith.constant 0.000000e+00 : f32
    %gt3A_77 = vector.broadcast %gt3A_76 : f32 to vector<1x128xf32>
    %gt3A_78 = arith.cmpf ogt, %get3A_75, %gt3A_77 : vector<1x128xf32>
    %jit3A_79 = arith.constant -1.000000e+09 : f32
    %broadcast_in_dim3A_80 = vector.shape_cast %gt3A_78 : vector<1x128xi1> to vector<1x128xi1>
    %broadcast_in_dim3A_81 = vector.broadcast %broadcast_in_dim3A_80 : vector<1x128xi1> to vector<256x128xi1>
    %broadcast_in_dim3A_82 = vector.broadcast %jit3A_79 : f32 to vector<256x128xf32>
    %select_n3A_83 = arith.select %broadcast_in_dim3A_81, %mul3A_72, %broadcast_in_dim3A_82 : vector<256x128xi1>, vector<256x128xf32>
    %max3A = arith.maximumf %select_n3A, %select_n3A_83 : vector<256x128xf32>
    %reduce_max3A = arith.constant dense<0xFF800000> : vector<256xf32>
    %reduce_max3A_84 = vector.multi_reduction <maximumf>, %max3A, %reduce_max3A [1] : vector<256x128xf32> to vector<256xf32>
    %broadcast_in_dim3A_85 = vector.shape_cast %reduce_max3A_84 : vector<256xf32> to vector<256x1xf32>
    %sub3A = vector.broadcast %broadcast_in_dim3A_85 : vector<256x1xf32> to vector<256x128xf32>
    %sub3A_86 = arith.subf %select_n3A, %sub3A : vector<256x128xf32>
    %exp3A = math.exp %sub3A_86 : vector<256x128xf32>
    %sub3A_87 = vector.broadcast %broadcast_in_dim3A_85 : vector<256x1xf32> to vector<256x128xf32>
    %sub3A_88 = arith.subf %select_n3A_83, %sub3A_87 : vector<256x128xf32>
    %exp3A_89 = math.exp %sub3A_88 : vector<256x128xf32>
    %get3A_90 = arith.constant 0 : index
    %get3A_91 = arith.constant 0 : index
    %get3A_92 = vector.load %arg9[%get3A_90, %get3A_91] : memref<128x128xf32, #tpu.memory_space<vmem>>, vector<128x128xf32>
    %dot_general3A_93 = arith.constant dense<0.000000e+00> : vector<256x128xf32>
    %dot_general3A_94 = tpu.matmul %exp3A, %get3A_92, %dot_general3A_93 {dimension_numbers = #tpu.dot_dimension_numbers<[1], [0], [0], [1], [0, 0, 1, 1], [], []>, transpose_lhs_hint = false} : vector<256x128xf32>, vector<128x128xf32>, vector<256x128xf32> -> vector<256x128xf32>
    %get3A_95 = arith.constant 0 : index
    %get3A_96 = arith.constant 0 : index
    %get3A_97 = vector.load %arg10[%get3A_95, %get3A_96] : memref<128x128xf32, #tpu.memory_space<vmem>>, vector<128x128xf32>
    %dot_general3A_98 = arith.constant dense<0.000000e+00> : vector<256x128xf32>
    %dot_general3A_99 = tpu.matmul %exp3A_89, %get3A_97, %dot_general3A_98 {dimension_numbers = #tpu.dot_dimension_numbers<[1], [0], [0], [1], [0, 0, 1, 1], [], []>, transpose_lhs_hint = false} : vector<256x128xf32>, vector<128x128xf32>, vector<256x128xf32> -> vector<256x128xf32>
    %add3A_100 = arith.addf %dot_general3A_94, %dot_general3A_99 : vector<256x128xf32>
    %div3A = arith.divf %exp3A, %add3A_100 : vector<256x128xf32>
    %div3A_101 = arith.divf %exp3A_89, %add3A_100 : vector<256x128xf32>
    %get3A_102 = arith.constant 0 : index
    %get3A_103 = arith.constant 0 : index
    %get3A_104 = vector.load %arg11[%get3A_102, %get3A_103] : memref<128x2048xf32, #tpu.memory_space<vmem>>, vector<128x2048xf32>
    %dot_general3A_105 = arith.constant dense<0.000000e+00> : vector<256x2048xf32>
    %dot_general3A_106 = tpu.matmul %div3A, %get3A_104, %dot_general3A_105 {dimension_numbers = #tpu.dot_dimension_numbers<[1], [0], [0], [1], [0, 0, 1, 1], [], []>, transpose_lhs_hint = false} : vector<256x128xf32>, vector<128x2048xf32>, vector<256x2048xf32> -> vector<256x2048xf32>
    %mul3A_107 = arith.mulf %dot_general3A_106, %get3A_50 : vector<256x2048xf32>
    %get3A_108 = arith.constant 0 : index
    %get3A_109 = arith.constant 0 : index
    %get3A_110 = vector.load %arg12[%get3A_108, %get3A_109] : memref<128x256xf32, #tpu.memory_space<vmem>>, vector<128x256xf32>
    %dot_general3A_111 = arith.constant dense<0.000000e+00> : vector<256x256xf32>
    %dot_general3A_112 = tpu.matmul %div3A_101, %get3A_110, %dot_general3A_111 {dimension_numbers = #tpu.dot_dimension_numbers<[1], [0], [0], [1], [0, 0, 1, 1], [], []>, transpose_lhs_hint = false} : vector<256x128xf32>, vector<128x256xf32>, vector<256x256xf32> -> vector<256x256xf32>
    %mul3A_113 = arith.mulf %dot_general3A_112, %add3A_44 : vector<256x256xf32>
    %slice3A = vector.extract_strided_slice %mul3A_107 {offsets = [0, 0], sizes = [256, 256], strides = [1, 1]} : vector<256x2048xf32> to vector<256x256xf32>
    %add3A_114 = arith.addf %mul3A_113, %slice3A : vector<256x256xf32>
    %slice3A_115 = vector.extract_strided_slice %mul3A_107 {offsets = [0, 256], sizes = [256, 256], strides = [1, 1]} : vector<256x2048xf32> to vector<256x256xf32>
    %add3A_116 = arith.addf %add3A_114, %slice3A_115 : vector<256x256xf32>
    %slice3A_117 = vector.extract_strided_slice %mul3A_107 {offsets = [0, 512], sizes = [256, 256], strides = [1, 1]} : vector<256x2048xf32> to vector<256x256xf32>
    %add3A_118 = arith.addf %add3A_116, %slice3A_117 : vector<256x256xf32>
    %slice3A_119 = vector.extract_strided_slice %mul3A_107 {offsets = [0, 768], sizes = [256, 256], strides = [1, 1]} : vector<256x2048xf32> to vector<256x256xf32>
    %add3A_120 = arith.addf %add3A_118, %slice3A_119 : vector<256x256xf32>
    %slice3A_121 = vector.extract_strided_slice %mul3A_107 {offsets = [0, 1024], sizes = [256, 256], strides = [1, 1]} : vector<256x2048xf32> to vector<256x256xf32>
    %add3A_122 = arith.addf %add3A_120, %slice3A_121 : vector<256x256xf32>
    %slice3A_123 = vector.extract_strided_slice %mul3A_107 {offsets = [0, 1280], sizes = [256, 256], strides = [1, 1]} : vector<256x2048xf32> to vector<256x256xf32>
    %add3A_124 = arith.addf %add3A_122, %slice3A_123 : vector<256x256xf32>
    %slice3A_125 = vector.extract_strided_slice %mul3A_107 {offsets = [0, 1536], sizes = [256, 256], strides = [1, 1]} : vector<256x2048xf32> to vector<256x256xf32>
    %add3A_126 = arith.addf %add3A_124, %slice3A_125 : vector<256x256xf32>
    %slice3A_127 = vector.extract_strided_slice %mul3A_107 {offsets = [0, 1792], sizes = [256, 256], strides = [1, 1]} : vector<256x2048xf32> to vector<256x256xf32>
    %add3A_128 = arith.addf %add3A_126, %slice3A_127 : vector<256x256xf32>
    %get3A_129 = arith.constant 0 : index
    %get3A_130 = arith.constant 0 : index
    %get3A_131 = vector.load %arg21[%get3A_129, %get3A_130] : memref<256x256xf32, #tpu.memory_space<vmem>>, vector<256x256xf32>
    %dot_general3A_132 = arith.constant dense<0.000000e+00> : vector<256x256xf32>
    %dot_general3A_133 = tpu.matmul %add3A_128, %get3A_131, %dot_general3A_132 {dimension_numbers = #tpu.dot_dimension_numbers<[1], [0], [0], [1], [0, 0, 1, 1], [], []>, transpose_lhs_hint = false} : vector<256x256xf32>, vector<256x256xf32>, vector<256x256xf32> -> vector<256x256xf32>
    %get3A_134 = arith.constant 0 : index
    %get3A_135 = arith.constant 0 : index
    %get3A_136 = vector.load %arg22[%get3A_134, %get3A_135] : memref<1x256xf32, #tpu.memory_space<vmem>>, vector<1x256xf32>
    %add3A_137 = vector.broadcast %get3A_136 : vector<1x256xf32> to vector<256x256xf32>
    %add3A_138 = arith.addf %dot_general3A_133, %add3A_137 : vector<256x256xf32>
    %add3A_139 = arith.addf %get3A_1, %add3A_138 : vector<256x256xf32>
    %reduce_sum3A = arith.constant dense<0.000000e+00> : vector<256xf32>
    %reduce_sum3A_140 = vector.multi_reduction <add>, %add3A_139, %reduce_sum3A [1] : vector<256x256xf32> to vector<256xf32>
    %broadcast_in_dim3A_141 = vector.shape_cast %reduce_sum3A_140 : vector<256xf32> to vector<256x1xf32>
    %div3A_142 = arith.constant 2.560000e+02 : f32
    %div3A_143 = vector.broadcast %div3A_142 : f32 to vector<256x1xf32>
    %div3A_144 = arith.divf %broadcast_in_dim3A_141, %div3A_143 : vector<256x1xf32>
    %sub3A_145 = vector.broadcast %div3A_144 : vector<256x1xf32> to vector<256x256xf32>
    %sub3A_146 = arith.subf %add3A_139, %sub3A_145 : vector<256x256xf32>
    %integer_pow3A = arith.mulf %sub3A_146, %sub3A_146 : vector<256x256xf32>
    %reduce_sum3A_147 = arith.constant dense<0.000000e+00> : vector<256xf32>
    %reduce_sum3A_148 = vector.multi_reduction <add>, %integer_pow3A, %reduce_sum3A_147 [1] : vector<256x256xf32> to vector<256xf32>
    %broadcast_in_dim3A_149 = vector.shape_cast %reduce_sum3A_148 : vector<256xf32> to vector<256x1xf32>
    %div3A_150 = arith.constant 2.560000e+02 : f32
    %div3A_151 = vector.broadcast %div3A_150 : f32 to vector<256x1xf32>
    %div3A_152 = arith.divf %broadcast_in_dim3A_149, %div3A_151 : vector<256x1xf32>
    %sub3A_153 = vector.broadcast %div3A_144 : vector<256x1xf32> to vector<256x256xf32>
    %sub3A_154 = arith.subf %add3A_139, %sub3A_153 : vector<256x256xf32>
    %add3A_155 = arith.constant 9.99999974E-6 : f32
    %add3A_156 = vector.broadcast %add3A_155 : f32 to vector<256x1xf32>
    %add3A_157 = arith.addf %div3A_152, %add3A_156 : vector<256x1xf32>
    %sqrt3A = math.sqrt %add3A_157 : vector<256x1xf32>
    %div3A_158 = vector.broadcast %sqrt3A : vector<256x1xf32> to vector<256x256xf32>
    %div3A_159 = arith.divf %sub3A_154, %div3A_158 : vector<256x256xf32>
    %get3A_160 = arith.constant 0 : index
    %get3A_161 = arith.constant 0 : index
    %get3A_162 = vector.load %arg23[%get3A_160, %get3A_161] : memref<1x256xf32, #tpu.memory_space<vmem>>, vector<1x256xf32>
    %mul3A_163 = vector.broadcast %get3A_162 : vector<1x256xf32> to vector<256x256xf32>
    %mul3A_164 = arith.mulf %div3A_159, %mul3A_163 : vector<256x256xf32>
    %get3A_165 = arith.constant 0 : index
    %get3A_166 = arith.constant 0 : index
    %get3A_167 = vector.load %arg24[%get3A_165, %get3A_166] : memref<1x256xf32, #tpu.memory_space<vmem>>, vector<1x256xf32>
    %add3A_168 = vector.broadcast %get3A_167 : vector<1x256xf32> to vector<256x256xf32>
    %add3A_169 = arith.addf %mul3A_164, %add3A_168 : vector<256x256xf32>
    %get3A_170 = arith.constant 0 : index
    %get3A_171 = arith.constant 0 : index
    %get3A_172 = vector.load %arg27[%get3A_170, %get3A_171] : memref<256x1024xf32, #tpu.memory_space<vmem>>, vector<256x1024xf32>
    %dot_general3A_173 = arith.constant dense<0.000000e+00> : vector<256x1024xf32>
    %dot_general3A_174 = tpu.matmul %add3A_169, %get3A_172, %dot_general3A_173 {dimension_numbers = #tpu.dot_dimension_numbers<[1], [0], [0], [1], [0, 0, 1, 1], [], []>, transpose_lhs_hint = false} : vector<256x256xf32>, vector<256x1024xf32>, vector<256x1024xf32> -> vector<256x1024xf32>
    %get3A_175 = arith.constant 0 : index
    %get3A_176 = arith.constant 0 : index
    %get3A_177 = vector.load %arg28[%get3A_175, %get3A_176] : memref<1x1024xf32, #tpu.memory_space<vmem>>, vector<1x1024xf32>
    %add3A_178 = vector.broadcast %get3A_177 : vector<1x1024xf32> to vector<256x1024xf32>
    %add3A_179 = arith.addf %dot_general3A_174, %add3A_178 : vector<256x1024xf32>
    %max3A_180 = arith.constant 0.000000e+00 : f32
    %max3A_181 = vector.broadcast %max3A_180 : f32 to vector<256x1024xf32>
    %max3A_182 = arith.maximumf %add3A_179, %max3A_181 : vector<256x1024xf32>
    %get3A_183 = arith.constant 0 : index
    %get3A_184 = arith.constant 0 : index
    %get3A_185 = vector.load %arg29[%get3A_183, %get3A_184] : memref<1024x256xf32, #tpu.memory_space<vmem>>, vector<1024x256xf32>
    %dot_general3A_186 = arith.constant dense<0.000000e+00> : vector<256x256xf32>
    %dot_general3A_187 = tpu.matmul %max3A_182, %get3A_185, %dot_general3A_186 {dimension_numbers = #tpu.dot_dimension_numbers<[1], [0], [0], [1], [0, 0, 1, 1], [], []>, transpose_lhs_hint = false} : vector<256x1024xf32>, vector<1024x256xf32>, vector<256x256xf32> -> vector<256x256xf32>
    %get3A_188 = arith.constant 0 : index
    %get3A_189 = arith.constant 0 : index
    %get3A_190 = vector.load %arg30[%get3A_188, %get3A_189] : memref<1x256xf32, #tpu.memory_space<vmem>>, vector<1x256xf32>
    %add3A_191 = vector.broadcast %get3A_190 : vector<1x256xf32> to vector<256x256xf32>
    %add3A_192 = arith.addf %dot_general3A_187, %add3A_191 : vector<256x256xf32>
    %add3A_193 = arith.addf %add3A_169, %add3A_192 : vector<256x256xf32>
    %reduce_sum3A_194 = arith.constant dense<0.000000e+00> : vector<256xf32>
    %reduce_sum3A_195 = vector.multi_reduction <add>, %add3A_193, %reduce_sum3A_194 [1] : vector<256x256xf32> to vector<256xf32>
    %broadcast_in_dim3A_196 = vector.shape_cast %reduce_sum3A_195 : vector<256xf32> to vector<256x1xf32>
    %div3A_197 = arith.constant 2.560000e+02 : f32
    %div3A_198 = vector.broadcast %div3A_197 : f32 to vector<256x1xf32>
    %div3A_199 = arith.divf %broadcast_in_dim3A_196, %div3A_198 : vector<256x1xf32>
    %sub3A_200 = vector.broadcast %div3A_199 : vector<256x1xf32> to vector<256x256xf32>
    %sub3A_201 = arith.subf %add3A_193, %sub3A_200 : vector<256x256xf32>
    %integer_pow3A_202 = arith.mulf %sub3A_201, %sub3A_201 : vector<256x256xf32>
    %reduce_sum3A_203 = arith.constant dense<0.000000e+00> : vector<256xf32>
    %reduce_sum3A_204 = vector.multi_reduction <add>, %integer_pow3A_202, %reduce_sum3A_203 [1] : vector<256x256xf32> to vector<256xf32>
    %broadcast_in_dim3A_205 = vector.shape_cast %reduce_sum3A_204 : vector<256xf32> to vector<256x1xf32>
    %div3A_206 = arith.constant 2.560000e+02 : f32
    %div3A_207 = vector.broadcast %div3A_206 : f32 to vector<256x1xf32>
    %div3A_208 = arith.divf %broadcast_in_dim3A_205, %div3A_207 : vector<256x1xf32>
    %sub3A_209 = vector.broadcast %div3A_199 : vector<256x1xf32> to vector<256x256xf32>
    %sub3A_210 = arith.subf %add3A_193, %sub3A_209 : vector<256x256xf32>
    %add3A_211 = arith.constant 9.99999974E-6 : f32
    %add3A_212 = vector.broadcast %add3A_211 : f32 to vector<256x1xf32>
    %add3A_213 = arith.addf %div3A_208, %add3A_212 : vector<256x1xf32>
    %sqrt3A_214 = math.sqrt %add3A_213 : vector<256x1xf32>
    %div3A_215 = vector.broadcast %sqrt3A_214 : vector<256x1xf32> to vector<256x256xf32>
    %div3A_216 = arith.divf %sub3A_210, %div3A_215 : vector<256x256xf32>
    %get3A_217 = arith.constant 0 : index
    %get3A_218 = arith.constant 0 : index
    %get3A_219 = vector.load %arg25[%get3A_217, %get3A_218] : memref<1x256xf32, #tpu.memory_space<vmem>>, vector<1x256xf32>
    %mul3A_220 = vector.broadcast %get3A_219 : vector<1x256xf32> to vector<256x256xf32>
    %mul3A_221 = arith.mulf %div3A_216, %mul3A_220 : vector<256x256xf32>
    %get3A_222 = arith.constant 0 : index
    %get3A_223 = arith.constant 0 : index
    %get3A_224 = vector.load %arg26[%get3A_222, %get3A_223] : memref<1x256xf32, #tpu.memory_space<vmem>>, vector<1x256xf32>
    %add3A_225 = vector.broadcast %get3A_224 : vector<1x256xf32> to vector<256x256xf32>
    %add3A_226 = arith.addf %mul3A_221, %add3A_225 : vector<256x256xf32>
    %add3A_227 = arith.addf %add3A_226, %get3A_1 : vector<256x256xf32>
    %swap3A = arith.constant 0 : index
    %swap3A_228 = arith.constant 0 : index
    %swap3A_229 = vector.load %arg31[%swap3A, %swap3A_228] : memref<256x256xf32, #tpu.memory_space<vmem>>, vector<256x256xf32>
    tpu.vector_store %arg31[%swap3A, %swap3A_228], %add3A_227 {strides = array<i32>} : memref<256x256xf32, #tpu.memory_space<vmem>>, vector<256x256xf32>,
    return
  }
  func.func @transform_0(%arg0: i32) -> (i32, i32) {
    %c0_i32 = arith.constant 0 : i32
    %c0_i32_0 = arith.constant 0 : i32
    return %arg0, %c0_i32 : i32, i32
  }
  func.func @transform_1(%arg0: i32) -> (i32, i32) {
    %c0_i32 = arith.constant 0 : i32
    %c0_i32_0 = arith.constant 0 : i32
    return %arg0, %c0_i32 : i32, i32
  }
  func.func @transform_2(%arg0: i32) -> (i32, i32) {
    %c0_i32 = arith.constant 0 : i32
    %c0_i32_0 = arith.constant 0 : i32
    return %arg0, %c0_i32 : i32, i32
  }
  func.func @transform_3(%arg0: i32) -> (i32, i32) {
    %c0_i32 = arith.constant 0 : i32
    %c0_i32_0 = arith.constant 0 : i32
    return %arg0, %c0_i32 : i32, i32
  }
  func.func @transform_4(%arg0: i32) -> (i32, i32) {
    %c0_i32 = arith.constant 0 : i32
    %c0_i32_0 = arith.constant 0 : i32
    return %arg0, %c0_i32 : i32, i32
  }
  func.func @transform_5(%arg0: i32) -> (i32, i32) {
    %c0_i32 = arith.constant 0 : i32
    %c0_i32_0 = arith.constant 0 : i32
    %c0_i32_1 = arith.constant 0 : i32
    return %c0_i32, %c0_i32_0 : i32, i32
  }
  func.func @transform_6(%arg0: i32) -> (i32, i32) {
    %c0_i32 = arith.constant 0 : i32
    %c0_i32_0 = arith.constant 0 : i32
    %c0_i32_1 = arith.constant 0 : i32
    return %c0_i32, %c0_i32_0 : i32, i32
  }
  func.func @transform_7(%arg0: i32) -> (i32, i32) {
    %c0_i32 = arith.constant 0 : i32
    %c0_i32_0 = arith.constant 0 : i32
    %c0_i32_1 = arith.constant 0 : i32
    return %c0_i32, %c0_i32_0 : i32, i32
  }
  func.func @transform_8(%arg0: i32) -> (i32, i32) {
    %c0_i32 = arith.constant 0 : i32
    %c0_i32_0 = arith.constant 0 : i32
    %c0_i32_1 = arith.constant 0 : i32
    return %c0_i32, %c0_i32_0 : i32, i32
  }
  func.func @transform_9(%arg0: i32) -> (i32, i32) {
    %c0_i32 = arith.constant 0 : i32
    %c0_i32_0 = arith.constant 0 : i32
    %c0_i32_1 = arith.constant 0 : i32
    return %c0_i32, %c0_i32_0 : i32, i32
  }
  func.func @transform_10(%arg0: i32) -> (i32, i32) {
    %c0_i32 = arith.constant 0 : i32
    %c0_i32_0 = arith.constant 0 : i32
    %c0_i32_1 = arith.constant 0 : i32
    return %c0_i32, %c0_i32_0 : i32, i32
  }
  func.func @transform_11(%arg0: i32) -> (i32, i32) {
    %c0_i32 = arith.constant 0 : i32
    %c0_i32_0 = arith.constant 0 : i32
    %c0_i32_1 = arith.constant 0 : i32
    return %c0_i32, %c0_i32_0 : i32, i32
  }
  func.func @transform_12(%arg0: i32) -> (i32, i32) {
    %c0_i32 = arith.constant 0 : i32
    %c0_i32_0 = arith.constant 0 : i32
    %c0_i32_1 = arith.constant 0 : i32
    return %c0_i32, %c0_i32_0 : i32, i32
  }
  func.func @transform_13(%arg0: i32) -> (i32, i32) {
    %c0_i32 = arith.constant 0 : i32
    %c0_i32_0 = arith.constant 0 : i32
    %c0_i32_1 = arith.constant 0 : i32
    return %c0_i32, %c0_i32_0 : i32, i32
  }
  func.func @transform_14(%arg0: i32) -> (i32, i32) {
    %c0_i32 = arith.constant 0 : i32
    %c0_i32_0 = arith.constant 0 : i32
    %c0_i32_1 = arith.constant 0 : i32
    return %c0_i32, %c0_i32_0 : i32, i32
  }
  func.func @transform_15(%arg0: i32) -> (i32, i32) {
    %c0_i32 = arith.constant 0 : i32
    %c0_i32_0 = arith.constant 0 : i32
    %c0_i32_1 = arith.constant 0 : i32
    return %c0_i32, %c0_i32_0 : i32, i32
  }
  func.func @transform_16(%arg0: i32) -> (i32, i32) {
    %c0_i32 = arith.constant 0 : i32
    %c0_i32_0 = arith.constant 0 : i32
    %c0_i32_1 = arith.constant 0 : i32
    return %c0_i32, %c0_i32_0 : i32, i32
  }
  func.func @transform_17(%arg0: i32) -> (i32, i32) {
    %c0_i32 = arith.constant 0 : i32
    %c0_i32_0 = arith.constant 0 : i32
    %c0_i32_1 = arith.constant 0 : i32
    return %c0_i32, %c0_i32_0 : i32, i32
  }
  func.func @transform_18(%arg0: i32) -> (i32, i32) {
    %c0_i32 = arith.constant 0 : i32
    %c0_i32_0 = arith.constant 0 : i32
    %c0_i32_1 = arith.constant 0 : i32
    return %c0_i32, %c0_i32_0 : i32, i32
  }
  func.func @transform_19(%arg0: i32) -> (i32, i32) {
    %c0_i32 = arith.constant 0 : i32
    %c0_i32_0 = arith.constant 0 : i32
    %c0_i32_1 = arith.constant 0 : i32
    return %c0_i32, %c0_i32_0 : i32, i32
  }
  func.func @transform_20(%arg0: i32) -> (i32, i32) {
    %c0_i32 = arith.constant 0 : i32
    %c0_i32_0 = arith.constant 0 : i32
    %c0_i32_1 = arith.constant 0 : i32
    return %c0_i32, %c0_i32_0 : i32, i32
  }
  func.func @transform_21(%arg0: i32) -> (i32, i32) {
    %c0_i32 = arith.constant 0 : i32
    %c0_i32_0 = arith.constant 0 : i32
    %c0_i32_1 = arith.constant 0 : i32
    return %c0_i32, %c0_i32_0 : i32, i32
  }
  func.func @transform_22(%arg0: i32) -> (i32, i32) {
    %c0_i32 = arith.constant 0 : i32
    %c0_i32_0 = arith.constant 0 : i32
    %c0_i32_1 = arith.constant 0 : i32
    return %c0_i32, %c0_i32_0 : i32, i32
  }
  func.func @transform_23(%arg0: i32) -> (i32, i32) {
    %c0_i32 = arith.constant 0 : i32
    %c0_i32_0 = arith.constant 0 : i32
    %c0_i32_1 = arith.constant 0 : i32
    return %c0_i32, %c0_i32_0 : i32, i32
  }
  func.func @transform_24(%arg0: i32) -> (i32, i32) {
    %c0_i32 = arith.constant 0 : i32
    %c0_i32_0 = arith.constant 0 : i32
    %c0_i32_1 = arith.constant 0 : i32
    return %c0_i32, %c0_i32_0 : i32, i32
  }
  func.func @transform_25(%arg0: i32) -> (i32, i32) {
    %c0_i32 = arith.constant 0 : i32
    %c0_i32_0 = arith.constant 0 : i32
    %c0_i32_1 = arith.constant 0 : i32
    return %c0_i32, %c0_i32_0 : i32, i32
  }
  func.func @transform_26(%arg0: i32) -> (i32, i32) {
    %c0_i32 = arith.constant 0 : i32
    %c0_i32_0 = arith.constant 0 : i32
    %c0_i32_1 = arith.constant 0 : i32
    return %c0_i32, %c0_i32_0 : i32, i32
  }
  func.func @transform_27(%arg0: i32) -> (i32, i32) {
    %c0_i32 = arith.constant 0 : i32
    %c0_i32_0 = arith.constant 0 : i32
    %c0_i32_1 = arith.constant 0 : i32
    return %c0_i32, %c0_i32_0 : i32, i32
  }
  func.func @transform_28(%arg0: i32) -> (i32, i32) {
    %c0_i32 = arith.constant 0 : i32
    %c0_i32_0 = arith.constant 0 : i32
    %c0_i32_1 = arith.constant 0 : i32
    return %c0_i32, %c0_i32_0 : i32, i32
  }
  func.func @transform_29(%arg0: i32) -> (i32, i32) {
    %c0_i32 = arith.constant 0 : i32
    %c0_i32_0 = arith.constant 0 : i32
    %c0_i32_1 = arith.constant 0 : i32
    return %c0_i32, %c0_i32_0 : i32, i32
  }
  func.func @transform_30(%arg0: i32) -> (i32, i32) {
    %c0_i32 = arith.constant 0 : i32
    %c0_i32_0 = arith.constant 0 : i32
    return %arg0, %c0_i32 : i32, i32
  }
}

</mosaic_0001>

<sc_bundles>
// kernel: kernel.6.cloned.1.call-start
scs
__scs_entry_jumppad:
0x0: {  	(pc) =	sbr.rel $0x88, $3  }
0x1: {  	(tag) =	ssettag $0x0;
	lr =	simm.s32 $0x1  }
0x2: {  	[smem:$0x3F8B] =	sst lr;
	_ =	strace $0xD0000000  }
0x3: {  	_ = 	snop  }
0x4: {  	_ = 	snop  }
0x5: {  	_ = 	snop  }
0x6: {  	_ = 	snop  }
0x7: {  	_ = 	snop  }
__scs_overlays_trampoline_lowered:
0x8: {  	[smem:$0x3F9A] =	sst s0  }
0x9: {  	[smem:$0x3F9B] =	sst s1  }
0xa: {  	[smem:$0x3F9C] =	sst s2  }
0xb: {  	[smem:$0x3F9D] =	sst s3  }
0xc: {  	[smem:$0x3F9E] =	sst s4  }
0xd: {  	[smem:$0x3F9F] =	sst s5  }
0xe: {  	[smem:$0x3FA0] =	sst s6  }
0xf: {  	[smem:$0x3FA1] =	sst s7  }
0x10: {  	[smem:$0x3FA2] =	sst s8  }
0x11: {  	[smem:$0x3FA3] =	sst s9;
	s0 =	simm.s32 @!p0 $0x0  }
0x12: {  	s1 =	sld [smem:$0x3F89];
	s0 =	simm.s32 @p0 $0x1  }
0x13: {  	[smem:$0x3FA4] =	sst s0;
	s0 =	simm.s32 @!p1 $0x0  }
0x14: {  	s2 =	sld [smem:$0x3F88];
	s0 =	simm.s32 @p1 $0x1  }
0x15: {  	[smem:$0x3FA5] =	sst s0;
	s0 =	simm.s32 @!p2 $0x0  }
0x16: {  	s3 =	sld [smem:$0x3FDB];
	s0 =	simm.s32 @p2 $0x1  }
0x17: {  	s4 =	simm.s32 $0x1BF5;
	[smem:$0x3FA7] =	sst s0  }
0x18: {  	s0 =	sld [smem:$0x3F8A];
	_ =	swait.ge [sflag:s4], $0x0  }
0x19: {  	s7 =	sld [smem:$0x3F8B]  }
0x1a: {  	s8 =	sadd.s32 $0xFFFFE003, lr  }
0x1b: {  	s9 =	sadd.s32 $0xFFFFFEF7, lr;
	s5 =	simm.s32 $0xFFFFFFFF;
	p2 =	slt.u32 s8, $0xFFFFF086  }
0x1c: {  	p1 =	slt.u32 s9, $0xF7A;
	s5 =	simm.s32 @!p2 $0x0  }
0x1d: {  	s5 =	simm.s32 @p1 $0x1;
	p0 =	seq.s32 s7, s2  }
0x1e: {  	s7 =	smul.u32 @!p0 $0xF7A, s2;
	p2 =	seq.s32 @!p0 s5, $0x0  }
0x1f: {  	s9 =	smul.u32 $0xF7A, s1;
	s8 =	simm.s32 @!p0 $0x1BF5;
	p2 =	por !p2, p0  }
0x20: {  	[sflag:s8] =	ssyncset.s32 @!p0 $0xFFFFF086;
	s6 =	sadd.s32 @!p0 s3, s7;
	s7 =	simm.s32 @!p0 $0x108  }
0x21: {  	s3 =	sadd.s32 s3, s9;
	s6 =	sadd.s32 @!p0 $0x88, s6;
	s7 =	simm.s32 @p2 $0x1082  }
0x22: {  	[simem:s7], [sflag:s8] =	dma.local @!p0 [hbm:s6], $0xF7A  }
0x23: {  	s9 =	sor.u32 $0xD0000000, s2;
	s6 =	simm.s32 $0x108;
	_ =	swait.ge @!p0 [sflag:s8], $0x0  }
0x24: {  	s3 =	sadd.s32 $0x88, s3;
	s6 =	simm.s32 @!p1 $0x1082;
	[sflag:s4] =	ssyncset.s32 $0xFFFFF086  }
0x25: {  	[simem:s6], [sflag:s4] =	dma.local [hbm:s3], $0xF7A  }
0x26: {  	[smem:$0x3F8B] =	sst s1;
	(tag) =	ssettag s2;
	_ =	strace s9  }
0x27: {  	s1 =	sld [smem:$0x3F9B]  }
0x28: {  	s2 =	sld [smem:$0x3F9C]  }
0x29: {  	s4 =	sld [smem:$0x3F9E]  }
0x2a: {  	p0 =	seq.s32 s5, $0x0;
	s5 =	sld [smem:$0x3F9F]  }
0x2b: {  	s6 =	sld [smem:$0x3FA0]  }
0x2c: {  	s7 =	sld [smem:$0x3FA1]  }
0x2d: {  	s3 =	simm.s32 $0x108;
	s8 =	sld [smem:$0x3FA2]  }
0x2e: {  	s3 =	simm.s32 @!p0 $0x1082;
	s9 =	sld [smem:$0x3FA3]  }
0x2f: {  	lr =	sadd.s32 s0, s3;
	s0 =	sld [smem:$0x3F9A]  }
0x30: {  	s3 =	sld [smem:$0x3F9D]  }
0x31: {  	[smem:$0x3FA6] =	sst s10  }
0x32: {  	s10 =	sld [smem:$0x3FA4];
	_ =	sdelay $0x3  }
0x33: {  	p0 =	seq.s32 s10, $0x1;
	s10 =	sld [smem:$0x3FA6];
	_ =	sdelay $0x3  }
0x34: {  	[smem:$0x3FA6] =	sst s10  }
0x35: {  	s10 =	sld [smem:$0x3FA5];
	_ =	sdelay $0x3  }
0x36: {  	p1 =	seq.s32 s10, $0x1;
	s10 =	sld [smem:$0x3FA6];
	_ =	sdelay $0x3  }
0x37: {  	[smem:$0x3FA6] =	sst s10  }
0x38: {  	s10 =	sld [smem:$0x3FA7]  }
0x39: {  	_ = 	snop;
	(pc) =	sbr.ind lr, $3  }
0x3a: {  	_ = 	snop  }
0x3b: {  	_ = 	snop  }
0x3c: {  	p2 =	seq.s32 s10, $0x1;
	s10 =	sld [smem:$0x3FA6]  }
0x3d: {  	_ =	shalt  }
0x3e: {  	_ =	shalt  }
0x3f: {  	_ =	shalt  }
0x40: {  	_ =	shalt  }
0x41: {  	_ =	shalt  }
0x42: {  	_ =	shalt  }
0x43: {  	_ =	shalt  }
0x44: {  	_ =	shalt  }
0x45: {  	_ =	shalt  }
0x46: {  	_ =	shalt  }
0x47: {  	_ =	shalt  }
0x48: {  	_ =	shalt  }
0x49: {  	_ =	shalt  }
0x4a: {  	_ =	shalt  }
0x4b: {  	_ =	shalt  }
0x4c: {  	_ =	shalt  }
0x4d: {  	_ =	shalt  }
0x4e: {  	_ =	shalt  }
0x4f: {  	_ =	shalt  }
0x50: {  	_ =	shalt  }
0x51: {  	_ =	shalt  }
0x52: {  	_ =	shalt  }
0x53: {  	_ =	shalt  }
0x54: {  	_ =	shalt  }
0x55: {  	_ =	shalt  }
0x56: {  	_ =	shalt  }
0x57: {  	_ =	shalt  }
0x58: {  	_ =	shalt  }
0x59: {  	_ =	shalt  }
0x5a: {  	_ =	shalt  }
0x5b: {  	_ =	shalt  }
0x5c: {  	_ =	shalt  }
0x5d: {  	_ =	shalt  }
0x5e: {  	_ =	shalt  }
0x5f: {  	_ =	shalt  }
0x60: {  	_ =	shalt  }
0x61: {  	_ =	shalt  }
0x62: {  	_ =	shalt  }
0x63: {  	_ =	shalt  }
0x64: {  	_ =	shalt  }
0x65: {  	_ =	shalt  }
0x66: {  	_ =	shalt  }
0x67: {  	_ =	shalt  }
0x68: {  	_ =	shalt  }
0x69: {  	_ =	shalt  }
0x6a: {  	_ =	shalt  }
0x6b: {  	_ =	shalt  }
0x6c: {  	_ =	shalt  }
0x6d: {  	_ =	shalt  }
0x6e: {  	_ =	shalt  }
0x6f: {  	_ =	shalt  }
0x70: {  	_ =	shalt  }
0x71: {  	_ =	shalt  }
0x72: {  	_ =	shalt  }
0x73: {  	_ =	shalt  }
0x74: {  	_ =	shalt  }
0x75: {  	_ =	shalt  }
0x76: {  	_ =	shalt  }
0x77: {  	_ =	shalt  }
0x78: {  	_ =	shalt  }
0x79: {  	_ =	shalt  }
0x7a: {  	_ =	shalt  }
0x7b: {  	_ =	shalt  }
0x7c: {  	_ =	shalt  }
0x7d: {  	_ =	shalt  }
0x7e: {  	_ =	shalt  }
0x7f: {  	_ =	shalt  }
0x80: {  	_ =	shalt  }
0x81: {  	_ =	shalt  }
0x82: {  	_ =	shalt  }
0x83: {  	_ =	shalt  }
0x84: {  	_ =	shalt  }
0x85: {  	_ =	shalt  }
0x86: {  	_ =	shalt  }
0x87: {  	_ =	shalt  }
.Lfunc_end0:
.L_simem_size_0:
called_computation_lowered:
.L_overlay_start_0:
0x88: {  	s2 =	sld [smem:$0x3FD9]  }
0x89: {  	s3 =	sld [smem:$0x3FFE];
	_ =	sdelay $0x1  }
0x8a: {  	s1 =	srdreg.scid  }
0x8b: {  	s0 =	sand.u32 $0x1, s1  }
0x8c: {  	s17 =	sshll.u32 s0, $0xA;
	s2 =	sadd.s32 s3, s2  }
0x8d: {  	s2 =	sadd.s32 s2, s17  }
0x8e: {  	[smem:$0x3FB2] =	sst s2  }
0x8f: {  	_ = 	snop  }
0x90: {  	s2 =	sld [smem:$0x3FD0];
	(tm) =	ssettm $0x1  }
0x91: {  	s18 =	sld [smem:$0x3FFB];
	_ =	sdelay $0x3  }
0x92: {  	_ =	strace s18  }
0x93: {  	s3 =	sld [smem:$0x3FFC];
	_ =	sdelay $0x3  }
0x94: {  	_ =	strace s3  }
0x95: {  	s3 =	sld [smem:$0x3FFD];
	_ =	sdelay $0x3  }
0x96: {  	_ =	strace s3  }
0x97: {  	_ =	strace $0x8FFFFFFF  }
0x98: {  	s19 =	sld [smem:$0x3FDB];
	_ =	sdelay $0x1  }
0x99: {  	s4 =	simm.s32 $_scs_section_size  }
0x9a: {  	s5 =	simm.s32 $_size__tile_overlayer_lowered;
	s6 =	simm.s32 $_tile_overlayer_lowered  }
0x9b: {  	s22 =	simm.s32 $0x1BFF;
	s21 =	sshll.u32 s6, $0x1;
	s3 =	sadd.s32 s4, s19  }
0x9c: {  	s7 =	simm.s32 $0x0;
	s20 =	sshll.u32 s5, $0x1;
	s5 =	sadd.s32 s21, s3  }
0x9d: {  	[timem:s7], [sflag:s22] =	dma.local [hbm:s5], s20  }
0x9e: {  	_ =	swait.ge [sflag:s22], s20  }
0x9f: {  	s4 =	ssub.s32 $0x0, s20;
	[sflag:s22] =	ssyncset.done $0x0  }
0xa0: {  	[sflag:s22] =	ssyncadd.s32 s4;
	_ =	sdelay $0x1  }
0xa1: {  	s23 =	simm.s32 $0x1B8B  }
0xa2: {  	_ =	swait.ge [sflag:s23], $0x1  }
0xa3: {  	[sflag:s23] =	ssyncset.done $0x0  }
0xa4: {  	s25 =	simm.s32 $0x1B8E;
	s24 =	sld [smem:$0x3FFE];
	[sflag:s23] =	ssyncadd.s32 $0xFFFFFFFF  }
0xa5: {  	s26 =	simm.s32 $execute0_lowered;
	[smem:$0x3FD2] =	sst s25  }
0xa6: {  	s5 =	sshll.u32 s26, $0x1;
	_ =	strace $0x80000046;
	[dreg:$0x1] =	wrdreg $0xFFFFFFFF  }
0xa7: {  	s28 =	simm.s32 $_size_execute0_lowered;
	s3 =	sadd.s32 s3, s5;
	[dreg:$0x0] =	wrdreg $0x0  }
0xa8: {  	s5 =	sshll.u32 s28, $0x1;
	[dreg:$0x2] =	wrdreg s3  }
0xa9: {  	[dreg:$0x3] =	wrdreg s5  }
0xaa: {  	[dreg:$0x4] =	wrdreg $0xC0  }
0xab: {  	_ =	task [dreg:s7], $0x5FFFF  }
0xac: {  	[dreg:$0x1] =	wrdreg $0xFFFFFFFF  }
0xad: {  	[dreg:$0x0] =	wrdreg $0x60  }
0xae: {  	[dreg:$0x2] =	wrdreg s24  }
0xaf: {  	[dreg:$0x3] =	wrdreg s2  }
0xb0: {  	[dreg:$0x4] =	wrdreg $0x9  }
0xb1: {  	_ =	task.clear_ibuf [dreg:s7], $0x5FFFF;
	_ =	strace $0x90000046  }
0xb2: {  	s29 =	simm.s32 $0x9;
	_ =	strace $0x80000048  }
0xb3: {  	_ =	swait.ge [sflag:s29], $0x1  }
0xb4: {  	[sflag:s29] =	ssyncadd.s32 $0xFFFFFFFF  }
0xb5: {  	_ =	strace $0x90000048  }
0xb6: {  	_ =	sfence  }
0xb7: {  	s30 =	sld [smem:$0x0];
	_ =	sdelay $0x2  }
0xb8: {  	s31 =	sshll.u32 s1, $0xD;
	s1 =	sshrl.u32 s1, $0x2  }
0xb9: {  	s3 =	sand.u32 $0x4000, s31;
	s1 =	sadd.s32 s1, s30  }
0xba: {  	s0 =	sor.u32 s3, s0;
	s1 =	sshll.u32 s1, $0x11  }
0xbb: {  	s0 =	sor.u32 s1, s0  }
0xbc: {  	s0 =	sadd.s32 $0x8F2B, s0  }
0xbd: {  	[sflag:s0] =	ssyncadd.remote.s32 $0x1  }
0xbe: {  	_ =	sfence.sel $0xFFFF  }
0xbf: {  	[dreg:$0x0] =	wrdreg $0xFFFFFFFF;
	(pc) =	sbr.abs _section_cstart, $3  }
0xc0: {  	[dreg:$0x1] =	wrdreg $0xFFFFFFFF  }
0xc1: {  	_ =	task.clear_ibuf [dreg:s7], $0x2FFFF;
	_ =	strace $0x9FFFFFFF  }
0xc2: {  	(tm) =	ssettm $0x7FFFFFFF  }
0xc3: {  	_ =	shalt  }
tec
execute0_lowered:
.L_overlay_start_1:
0x0: {  	(tag) =	ssettag $0x1  }
0x1: {  	s0 =	rddreg [dreg:$0x0]  }
0x2: {  	s6 =	rddreg [dreg:$0x1]  }
0x3: {  	s1 =	stileid.u32;
	s2 =	srdreg.scid;
	s12 =	simm.s32 $0x880  }
0x4: {  	s13 =	simm.s32 $0x1080;
	s5 =	sand.u32 $0x1, s2;
	s2 =	simm.s32 $0x0  }
0x5: {  	s7 =	simm.s32 $0x1880;
	s14 =	simm.s32 $0x2080;
	[smem:$0x7FF] =	sst s2  }
0x6: {  	s16 =	simm.s32 $0x2880;
	_ =	strace $0x80000047;
	[dreg:$0x5] =	wrdreg s12  }
0x7: {  	s17 =	simm.s32 $0x3080;
	s18 =	simm.s32 $0x3880;
	[dreg:$0x6] =	wrdreg s13  }
0x8: {  	s20 =	simm.s32 $0x4080;
	s21 =	simm.s32 $0x4880;
	[dreg:$0x7] =	wrdreg s7  }
0x9: {  	s23 =	simm.s32 $0x5080;
	s25 =	simm.s32 $0x5880;
	[dreg:$0x8] =	wrdreg s14  }
0xa: {  	s26 =	simm.s32 $0x6080;
	s31 =	simm.s32 $0x6880;
	[dreg:$0x9] =	wrdreg s16  }
0xb: {  	s10 =	simm.s32 $0x7880;
	s11 =	simm.s32 $0x8080;
	[dreg:$0xa] =	wrdreg s17  }
0xc: {  	s28 =	simm.s32 $0x1;
	s29 =	simm.s32 $0x2;
	[dreg:$0xb] =	wrdreg s18  }
0xd: {  	s30 =	simm.s32 $0x0;
	s3 =	sshll.u32 s1, $0x11;
	[dreg:$0xc] =	wrdreg s20  }
0xe: {  	s19 =	sshll.u32 s1, $0xC;
	s3 =	sadd.s32 s3, s0;
	[dreg:$0xd] =	wrdreg s21  }
0xf: {  	s4 =	sshll.u32 s5, $0x10;
	s15 =	ssub.s32 $0x2, s5;
	[dreg:$0xe] =	wrdreg s23  }
0x10: {  	s9 =	sshll.u32 s5, $0xB;
	s3 =	sadd.s32 s4, s3;
	[dreg:$0xf] =	wrdreg s25  }
0x11: {  	s8 =	sshrl.u32 s15, $0x1;
	s24 =	sor.u32 s9, s19;
	[dreg:$0x10] =	wrdreg s26  }
0x12: {  	[dreg:$0x11] =	wrdreg s31;
	s9 =	simm.s32 $0x7080;
	s12 =	simm.s32 $0x8880  }
0x13: {  	s13 =	simm.s32 $0x9080;
	s14 =	simm.s32 $0x9880;
	s16 =	simm.s32 $0xA880  }
0x14: {  	s17 =	simm.s32 $0xB080;
	s18 =	simm.s32 $0xB880;
	s19 =	simm.s32 $0xC080  }
0x15: {  	s20 =	simm.s32 $0xC880;
	s21 =	simm.s32 $0xD080;
	s23 =	simm.s32 $0xE080  }
0x16: {  	s25 =	simm.s32 $0xF080;
	s26 =	simm.s32 $0xF880;
	s4 =	sadd.s32 $0x104E00, s3  }
0x17: {  	s3 =	sadd.s32 $0x304E00, s3;
	s7 =	ssub.s32 s15, s8;
	[dreg:$0x3] =	wrdreg s4  }
0x18: {  	s8 =	simm.s32 $0x80;
	s15 =	simm.s32 $0xA080;
	[dreg:$0x4] =	wrdreg s3  }
0x19: {  	v2 =	vlaneseq.u32;
	s3 =	sadd.s32 $0x4E00, s0;
	s4 =	sadd.s32 $0x84E00, s0;
	s22 =	smax.u32 s7, $0x1  }
0x1a: {  	vm0 =	vmmov $0xffff;
	v1 =	vshrl.u32 v2, $0x3;
	s7 =	sshrl.u32 s24, $0x3;
	s24 =	simm.s32 $0xE880;
	[dreg:$0x12] =	wrdreg s22  }
0x1b: {  	v0 =	vand.u32 $0x7, v2;
	v2 =	vor.u32 $0x8, v2;
	v1 =	vmul.u32 $0x8, v1;
	s6 =	sadd.s32 s7, s6;
	s7 =	simm.s32 $0x3;
	s22 =	simm.s32 $0xD880  }
.LBB2_1:
0x1c: {  	s31 =	smov.u32 s6;
	s0 =	simm.s32 $0x0  }
.LBB2_2:
0x1d: {  	[tilespmem:s2], [sflag:$0x3] =	stream.linear.gather [hbm4b:s31+s2], $0x80, $0x38;
	[tilespmem:$0x10080] =	vst v63  }
0x1e: {  	_ =	swait.ge [sflag:s7], $0x80  }
0x1f: {  	[sflag:s7] =	ssyncset.done $0x0  }
0x20: {  	[sflag:s7] =	ssyncadd.s32 $0xFFFFFF80  }
0x21: {  	v3 =	vld [tilespmem:$0x0];
	_ =	sdelay $0x4  }
0x22: {  	v4 =	vshll.u32 v3, $0x1  }
0x23: {  	v3 =	vand.u32 $0x7, v3;
	v4 =	vand.u32 $0xFFFFFFF0, v4  }
0x24: {  	v3 =	vor.u32 v3, v4  }
0x25: {  	v4 =	vperm.xlane v3, v0;
	_ =	sdelay $0x1  }
0x26: {  	v3 =	vperm.xlane v3, v2;
	v4 =	vadd.s32 v1, v4;
	_ =	sdelay $0x1  }
0x27: {  	v3 =	vadd.s32 v1, v3;
	_ =	sdelay $0x2  }
0x28: {  	[tilespmem:s8], [sflag:$0x1] =	stream.indirect_vreg.gather [hbm4b:s3+s2], $0x80, v4, vm0, $0xb8;
	[tilespmem:$0x10080] =	vst v63  }
0x29: {  	s1 =	rddreg [dreg:$0x5]  }
0x2a: {  	[tilespmem:s1], [sflag:$0x1] =	stream.indirect_vreg.gather [hbm4b:s3+s2], $0x80, v3, vm0, $0xb8;
	[tilespmem:$0x10080] =	vst v63  }
0x2b: {  	v3 =	vld [tilespmem:$0x10];
	_ =	sdelay $0x4  }
0x2c: {  	v49 =	vshll.u32 v3, $0x1  }
0x2d: {  	v3 =	vand.u32 $0x7, v3;
	v4 =	vand.u32 $0xFFFFFFF0, v49  }
0x2e: {  	v3 =	vor.u32 v3, v4  }
0x2f: {  	v4 =	vperm.xlane v3, v0;
	_ =	sdelay $0x1  }
0x30: {  	v3 =	vperm.xlane v3, v2;
	v4 =	vadd.s32 v1, v4;
	_ =	sdelay $0x1  }
0x31: {  	v3 =	vadd.s32 v1, v3;
	_ =	sdelay $0x1  }
0x32: {  	s1 =	rddreg [dreg:$0x6]  }
0x33: {  	[tilespmem:s1], [sflag:$0x1] =	stream.indirect_vreg.gather [hbm4b:s3+s2], $0x80, v4, vm0, $0xb8;
	[tilespmem:$0x10080] =	vst v63  }
0x34: {  	s5 =	rddreg [dreg:$0x7]  }
0x35: {  	[tilespmem:s5], [sflag:$0x1] =	stream.indirect_vreg.gather [hbm4b:s3+s2], $0x80, v3, vm0, $0xb8;
	[tilespmem:$0x10080] =	vst v63  }
0x36: {  	v3 =	vld [tilespmem:$0x20];
	_ =	sdelay $0x4  }
0x37: {  	v50 =	vshll.u32 v3, $0x1  }
0x38: {  	v3 =	vand.u32 $0x7, v3;
	v4 =	vand.u32 $0xFFFFFFF0, v50  }
0x39: {  	v3 =	vor.u32 v3, v4  }
0x3a: {  	v4 =	vperm.xlane v3, v0;
	_ =	sdelay $0x1  }
0x3b: {  	v3 =	vperm.xlane v3, v2;
	v4 =	vadd.s32 v1, v4;
	_ =	sdelay $0x1  }
0x3c: {  	v3 =	vadd.s32 v1, v3;
	_ =	sdelay $0x1  }
0x3d: {  	s1 =	rddreg [dreg:$0x8]  }
0x3e: {  	[tilespmem:s1], [sflag:$0x1] =	stream.indirect_vreg.gather [hbm4b:s3+s2], $0x80, v4, vm0, $0xb8;
	[tilespmem:$0x10080] =	vst v63  }
0x3f: {  	s5 =	rddreg [dreg:$0x9]  }
0x40: {  	[tilespmem:s5], [sflag:$0x1] =	stream.indirect_vreg.gather [hbm4b:s3+s2], $0x80, v3, vm0, $0xb8;
	[tilespmem:$0x10080] =	vst v63  }
0x41: {  	v3 =	vld [tilespmem:$0x30];
	_ =	sdelay $0x4  }
0x42: {  	v51 =	vshll.u32 v3, $0x1  }
0x43: {  	v3 =	vand.u32 $0x7, v3;
	v4 =	vand.u32 $0xFFFFFFF0, v51  }
0x44: {  	v3 =	vor.u32 v3, v4  }
0x45: {  	v4 =	vperm.xlane v3, v0;
	_ =	sdelay $0x1  }
0x46: {  	v3 =	vperm.xlane v3, v2;
	v4 =	vadd.s32 v1, v4;
	_ =	sdelay $0x1  }
0x47: {  	v3 =	vadd.s32 v1, v3;
	_ =	sdelay $0x1  }
0x48: {  	s1 =	rddreg [dreg:$0xa]  }
0x49: {  	[tilespmem:s1], [sflag:$0x1] =	stream.indirect_vreg.gather [hbm4b:s3+s2], $0x80, v4, vm0, $0xb8;
	[tilespmem:$0x10080] =	vst v63  }
0x4a: {  	s5 =	rddreg [dreg:$0xb]  }
0x4b: {  	[tilespmem:s5], [sflag:$0x1] =	stream.indirect_vreg.gather [hbm4b:s3+s2], $0x80, v3, vm0, $0xb8;
	[tilespmem:$0x10080] =	vst v63  }
0x4c: {  	v3 =	vld [tilespmem:$0x40];
	_ =	sdelay $0x4  }
0x4d: {  	v52 =	vshll.u32 v3, $0x1  }
0x4e: {  	v3 =	vand.u32 $0x7, v3;
	v4 =	vand.u32 $0xFFFFFFF0, v52  }
0x4f: {  	v3 =	vor.u32 v3, v4  }
0x50: {  	v4 =	vperm.xlane v3, v0;
	_ =	sdelay $0x1  }
0x51: {  	v3 =	vperm.xlane v3, v2;
	v4 =	vadd.s32 v1, v4;
	_ =	sdelay $0x1  }
0x52: {  	v3 =	vadd.s32 v1, v3;
	_ =	sdelay $0x1  }
0x53: {  	s1 =	rddreg [dreg:$0xc]  }
0x54: {  	[tilespmem:s1], [sflag:$0x1] =	stream.indirect_vreg.gather [hbm4b:s3+s2], $0x80, v4, vm0, $0xb8;
	[tilespmem:$0x10080] =	vst v63  }
0x55: {  	s5 =	rddreg [dreg:$0xd]  }
0x56: {  	[tilespmem:s5], [sflag:$0x1] =	stream.indirect_vreg.gather [hbm4b:s3+s2], $0x80, v3, vm0, $0xb8;
	[tilespmem:$0x10080] =	vst v63  }
0x57: {  	v3 =	vld [tilespmem:$0x50];
	_ =	sdelay $0x4  }
0x58: {  	v53 =	vshll.u32 v3, $0x1  }
0x59: {  	v3 =	vand.u32 $0x7, v3;
	v4 =	vand.u32 $0xFFFFFFF0, v53  }
0x5a: {  	v3 =	vor.u32 v3, v4  }
0x5b: {  	v4 =	vperm.xlane v3, v0;
	_ =	sdelay $0x1  }
0x5c: {  	v3 =	vperm.xlane v3, v2;
	v4 =	vadd.s32 v1, v4;
	_ =	sdelay $0x1  }
0x5d: {  	v3 =	vadd.s32 v1, v3;
	_ =	sdelay $0x1  }
0x5e: {  	s1 =	rddreg [dreg:$0xe]  }
0x5f: {  	[tilespmem:s1], [sflag:$0x1] =	stream.indirect_vreg.gather [hbm4b:s3+s2], $0x80, v4, vm0, $0xb8;
	[tilespmem:$0x10080] =	vst v63  }
0x60: {  	s5 =	rddreg [dreg:$0xf]  }
0x61: {  	[tilespmem:s5], [sflag:$0x1] =	stream.indirect_vreg.gather [hbm4b:s3+s2], $0x80, v3, vm0, $0xb8;
	[tilespmem:$0x10080] =	vst v63  }
0x62: {  	v3 =	vld [tilespmem:$0x60];
	_ =	sdelay $0x4  }
0x63: {  	v54 =	vshll.u32 v3, $0x1  }
0x64: {  	v3 =	vand.u32 $0x7, v3;
	v4 =	vand.u32 $0xFFFFFFF0, v54  }
0x65: {  	v3 =	vor.u32 v3, v4  }
0x66: {  	v4 =	vperm.xlane v3, v0;
	_ =	sdelay $0x1  }
0x67: {  	v3 =	vperm.xlane v3, v2;
	v4 =	vadd.s32 v1, v4;
	_ =	sdelay $0x1  }
0x68: {  	v3 =	vadd.s32 v1, v3;
	_ =	sdelay $0x1  }
0x69: {  	s1 =	rddreg [dreg:$0x10]  }
0x6a: {  	[tilespmem:s1], [sflag:$0x1] =	stream.indirect_vreg.gather [hbm4b:s3+s2], $0x80, v4, vm0, $0xb8;
	[tilespmem:$0x10080] =	vst v63  }
0x6b: {  	s5 =	rddreg [dreg:$0x11]  }
0x6c: {  	[tilespmem:s5], [sflag:$0x1] =	stream.indirect_vreg.gather [hbm4b:s3+s2], $0x80, v3, vm0, $0xb8;
	[tilespmem:$0x10080] =	vst v63  }
0x6d: {  	v3 =	vld [tilespmem:$0x70];
	_ =	sdelay $0x4  }
0x6e: {  	v55 =	vshll.u32 v3, $0x1  }
0x6f: {  	v3 =	vand.u32 $0x7, v3;
	v4 =	vand.u32 $0xFFFFFFF0, v55  }
0x70: {  	v3 =	vor.u32 v3, v4  }
0x71: {  	v4 =	vperm.xlane v3, v0;
	_ =	sdelay $0x1  }
0x72: {  	v3 =	vperm.xlane v3, v2;
	v4 =	vadd.s32 v1, v4;
	_ =	sdelay $0x1  }
0x73: {  	v3 =	vadd.s32 v1, v3;
	_ =	sdelay $0x2  }
0x74: {  	[tilespmem:s9], [sflag:$0x1] =	stream.indirect_vreg.gather [hbm4b:s3+s2], $0x80, v4, vm0, $0xb8;
	[tilespmem:$0x10080] =	vst v63  }
0x75: {  	_ = 	snop  }
0x76: {  	[tilespmem:s10], [sflag:$0x1] =	stream.indirect_vreg.gather [hbm4b:s3+s2], $0x80, v3, vm0, $0xb8;
	[tilespmem:$0x10080] =	vst v63  }
0x77: {  	v3 =	vld [tilespmem:$0x0];
	_ =	sdelay $0x4  }
0x78: {  	v56 =	vshll.u32 v3, $0x1  }
0x79: {  	v3 =	vand.u32 $0x7, v3;
	v4 =	vand.u32 $0xFFFFFFF0, v56  }
0x7a: {  	v3 =	vor.u32 v3, v4  }
0x7b: {  	v4 =	vperm.xlane v3, v0;
	_ =	sdelay $0x1  }
0x7c: {  	v3 =	vperm.xlane v3, v2;
	v4 =	vadd.s32 v1, v4;
	_ =	sdelay $0x1  }
0x7d: {  	v3 =	vadd.s32 v1, v3;
	_ =	sdelay $0x2  }
0x7e: {  	[tilespmem:s11], [sflag:$0x2] =	stream.indirect_vreg.gather [hbm4b:s4+s2], $0x80, v4, vm0, $0xb8;
	[tilespmem:$0x10080] =	vst v63  }
0x7f: {  	_ = 	snop  }
0x80: {  	[tilespmem:s12], [sflag:$0x2] =	stream.indirect_vreg.gather [hbm4b:s4+s2], $0x80, v3, vm0, $0xb8;
	[tilespmem:$0x10080] =	vst v63  }
0x81: {  	v3 =	vld [tilespmem:$0x10];
	_ =	sdelay $0x4  }
0x82: {  	v57 =	vshll.u32 v3, $0x1  }
0x83: {  	v3 =	vand.u32 $0x7, v3;
	v4 =	vand.u32 $0xFFFFFFF0, v57  }
0x84: {  	v3 =	vor.u32 v3, v4  }
0x85: {  	v4 =	vperm.xlane v3, v0;
	_ =	sdelay $0x1  }
0x86: {  	v3 =	vperm.xlane v3, v2;
	v4 =	vadd.s32 v1, v4;
	_ =	sdelay $0x1  }
0x87: {  	v3 =	vadd.s32 v1, v3;
	_ =	sdelay $0x2  }
0x88: {  	[tilespmem:s13], [sflag:$0x2] =	stream.indirect_vreg.gather [hbm4b:s4+s2], $0x80, v4, vm0, $0xb8;
	[tilespmem:$0x10080] =	vst v63  }
0x89: {  	_ = 	snop  }
0x8a: {  	[tilespmem:s14], [sflag:$0x2] =	stream.indirect_vreg.gather [hbm4b:s4+s2], $0x80, v3, vm0, $0xb8;
	[tilespmem:$0x10080] =	vst v63  }
0x8b: {  	v3 =	vld [tilespmem:$0x20];
	_ =	sdelay $0x4  }
0x8c: {  	v58 =	vshll.u32 v3, $0x1  }
0x8d: {  	v3 =	vand.u32 $0x7, v3;
	v4 =	vand.u32 $0xFFFFFFF0, v58  }
0x8e: {  	v3 =	vor.u32 v3, v4  }
0x8f: {  	v4 =	vperm.xlane v3, v0;
	_ =	sdelay $0x1  }
0x90: {  	v3 =	vperm.xlane v3, v2;
	v4 =	vadd.s32 v1, v4;
	_ =	sdelay $0x1  }
0x91: {  	v3 =	vadd.s32 v1, v3;
	_ =	sdelay $0x2  }
0x92: {  	[tilespmem:s15], [sflag:$0x2] =	stream.indirect_vreg.gather [hbm4b:s4+s2], $0x80, v4, vm0, $0xb8;
	[tilespmem:$0x10080] =	vst v63  }
0x93: {  	_ = 	snop  }
0x94: {  	[tilespmem:s16], [sflag:$0x2] =	stream.indirect_vreg.gather [hbm4b:s4+s2], $0x80, v3, vm0, $0xb8;
	[tilespmem:$0x10080] =	vst v63  }
0x95: {  	v3 =	vld [tilespmem:$0x30];
	_ =	sdelay $0x4  }
0x96: {  	v59 =	vshll.u32 v3, $0x1  }
0x97: {  	v3 =	vand.u32 $0x7, v3;
	v4 =	vand.u32 $0xFFFFFFF0, v59  }
0x98: {  	v3 =	vor.u32 v3, v4  }
0x99: {  	v4 =	vperm.xlane v3, v0;
	_ =	sdelay $0x1  }
0x9a: {  	v3 =	vperm.xlane v3, v2;
	v4 =	vadd.s32 v1, v4;
	_ =	sdelay $0x1  }
0x9b: {  	v3 =	vadd.s32 v1, v3;
	_ =	sdelay $0x2  }
0x9c: {  	[tilespmem:s17], [sflag:$0x2] =	stream.indirect_vreg.gather [hbm4b:s4+s2], $0x80, v4, vm0, $0xb8;
	[tilespmem:$0x10080] =	vst v63  }
0x9d: {  	_ = 	snop  }
0x9e: {  	[tilespmem:s18], [sflag:$0x2] =	stream.indirect_vreg.gather [hbm4b:s4+s2], $0x80, v3, vm0, $0xb8;
	[tilespmem:$0x10080] =	vst v63  }
0x9f: {  	v3 =	vld [tilespmem:$0x40];
	_ =	sdelay $0x4  }
0xa0: {  	v60 =	vshll.u32 v3, $0x1  }
0xa1: {  	v3 =	vand.u32 $0x7, v3;
	v4 =	vand.u32 $0xFFFFFFF0, v60  }
0xa2: {  	v3 =	vor.u32 v3, v4  }
0xa3: {  	v4 =	vperm.xlane v3, v0;
	_ =	sdelay $0x1  }
0xa4: {  	v3 =	vperm.xlane v3, v2;
	v4 =	vadd.s32 v1, v4;
	_ =	sdelay $0x1  }
0xa5: {  	v3 =	vadd.s32 v1, v3;
	_ =	sdelay $0x2  }
0xa6: {  	[tilespmem:s19], [sflag:$0x2] =	stream.indirect_vreg.gather [hbm4b:s4+s2], $0x80, v4, vm0, $0xb8;
	[tilespmem:$0x10080] =	vst v63  }
0xa7: {  	_ = 	snop  }
0xa8: {  	[tilespmem:s20], [sflag:$0x2] =	stream.indirect_vreg.gather [hbm4b:s4+s2], $0x80, v3, vm0, $0xb8;
	[tilespmem:$0x10080] =	vst v63  }
0xa9: {  	v3 =	vld [tilespmem:$0x50];
	_ =	sdelay $0x4  }
0xaa: {  	v61 =	vshll.u32 v3, $0x1  }
0xab: {  	v3 =	vand.u32 $0x7, v3;
	v4 =	vand.u32 $0xFFFFFFF0, v61  }
0xac: {  	v3 =	vor.u32 v3, v4  }
0xad: {  	v4 =	vperm.xlane v3, v0;
	_ =	sdelay $0x1  }
0xae: {  	v3 =	vperm.xlane v3, v2;
	v4 =	vadd.s32 v1, v4;
	_ =	sdelay $0x1  }
0xaf: {  	v3 =	vadd.s32 v1, v3;
	_ =	sdelay $0x2  }
0xb0: {  	[tilespmem:s21], [sflag:$0x2] =	stream.indirect_vreg.gather [hbm4b:s4+s2], $0x80, v4, vm0, $0xb8;
	[tilespmem:$0x10080] =	vst v63  }
0xb1: {  	_ = 	snop  }
0xb2: {  	[tilespmem:s22], [sflag:$0x2] =	stream.indirect_vreg.gather [hbm4b:s4+s2], $0x80, v3, vm0, $0xb8;
	[tilespmem:$0x10080] =	vst v63  }
0xb3: {  	v3 =	vld [tilespmem:$0x60];
	_ =	sdelay $0x4  }
0xb4: {  	v62 =	vshll.u32 v3, $0x1  }
0xb5: {  	v3 =	vand.u32 $0x7, v3;
	v4 =	vand.u32 $0xFFFFFFF0, v62  }
0xb6: {  	v3 =	vor.u32 v3, v4  }
0xb7: {  	v4 =	vperm.xlane v3, v0;
	_ =	sdelay $0x1  }
0xb8: {  	v3 =	vperm.xlane v3, v2;
	v4 =	vadd.s32 v1, v4;
	_ =	sdelay $0x1  }
0xb9: {  	v3 =	vadd.s32 v1, v3;
	_ =	sdelay $0x2  }
0xba: {  	[tilespmem:s23], [sflag:$0x2] =	stream.indirect_vreg.gather [hbm4b:s4+s2], $0x80, v4, vm0, $0xb8;
	[tilespmem:$0x10080] =	vst v63  }
0xbb: {  	_ = 	snop  }
0xbc: {  	[tilespmem:s24], [sflag:$0x2] =	stream.indirect_vreg.gather [hbm4b:s4+s2], $0x80, v3, vm0, $0xb8;
	[tilespmem:$0x10080] =	vst v63  }
0xbd: {  	v3 =	vld [tilespmem:$0x70];
	_ =	sdelay $0x4  }
0xbe: {  	v63 =	vshll.u32 v3, $0x1  }
0xbf: {  	v3 =	vand.u32 $0x7, v3;
	v4 =	vand.u32 $0xFFFFFFF0, v63  }
0xc0: {  	v3 =	vor.u32 v3, v4  }
0xc1: {  	v4 =	vperm.xlane v3, v0;
	_ =	sdelay $0x1  }
0xc2: {  	v3 =	vperm.xlane v3, v2;
	v4 =	vadd.s32 v1, v4;
	_ =	sdelay $0x1  }
0xc3: {  	v3 =	vadd.s32 v1, v3;
	_ =	sdelay $0x2  }
0xc4: {  	[tilespmem:s25], [sflag:$0x2] =	stream.indirect_vreg.gather [hbm4b:s4+s2], $0x80, v4, vm0, $0xb8;
	[tilespmem:$0x10080] =	vst v63  }
0xc5: {  	_ = 	snop  }
0xc6: {  	[tilespmem:s26], [sflag:$0x2] =	stream.indirect_vreg.gather [hbm4b:s4+s2], $0x80, v3, vm0, $0xb8;
	[tilespmem:$0x10080] =	vst v63  }
0xc7: {  	_ =	swait.ge [sflag:s28], $0x8000  }
0xc8: {  	s5 =	rddreg [dreg:$0x3];
	[sflag:s28] =	ssyncset.done $0x0  }
0xc9: {  	[sflag:s28] =	ssyncadd.s32 $0xFFFF8000;
	s1 =	sadd.s32 s0, s5  }
0xca: {  	[hbm4b:s1+s2] =	stream.linear.scatter [tilespmem:s8], [sflag:$0x3], $0x8000, $0x38;
	[tilespmem:$0x10080] =	vst v63  }
0xcb: {  	_ =	swait.ge [sflag:s7], $0x8000  }
0xcc: {  	[sflag:s7] =	ssyncset.done $0x0  }
0xcd: {  	[sflag:s7] =	ssyncadd.s32 $0xFFFF8000  }
0xce: {  	_ =	swait.ge [sflag:s29], $0x8000  }
0xcf: {  	p0 =	sne.s32 s0, $0xF000;
	s5 =	rddreg [dreg:$0x4];
	[sflag:s29] =	ssyncset.done $0x0  }
.Ltmp0:
0xd0: {  	[sflag:s29] =	ssyncadd.s32 $0xFFFF8000;
	s1 =	sadd.s32 s0, s5;
	(pc) =	sbr.rel @p0 .LBB2_2-.Ltmp0, $4  }
0xd1: {  	[hbm4b:s1+s2] =	stream.linear.scatter [tilespmem:s11], [sflag:$0x3], $0x8000, $0x38;
	[tilespmem:$0x10080] =	vst v63  }
0xd2: {  	_ =	swait.ge [sflag:s7], $0x8000  }
0xd3: {  	[sflag:s7] =	ssyncset.done $0x0  }
0xd4: {  	s31 =	sadd.s32 $0x10, s31;
	s0 =	sadd.s32 $0x1000, s0;
	[sflag:s7] =	ssyncadd.s32 $0xFFFF8000  }
0xd5: {  	s30 =	sadd.s32 $0x1, s30;
	s0 =	rddreg [dreg:$0x12]  }
0xd6: {  	p0 =	sne.s32 s30, s0  }
.Ltmp1:
0xd7: {  	_ = 	snop;
	(pc) =	sbr.rel @p0 .LBB2_1-.Ltmp1, $1  }
0xd8: {  	_ =	sdelay $0x3  }
0xd9: {  	_ =	sfence.sel $0x180000  }
0xda: {  	[bflag:$0x0] =	sbarrier.arrive $0xFFFF  }
0xdb: {  	_ =	strace $0x90000047  }
0xdc: {  	s0 =	stileid.u32;
	[bflag:$0x2] =	sbarrier.arrive $0xFFFF  }
0xdd: {  	p0 =	sne.s32 s0, $0x0;
	s0 =	rddreg [dreg:$0x2]  }
0xde: {  	s0 =	sadd.s32 @!p0 $0x100000, s0  }
0xdf: {  	[sflag:s0] =	ssyncadd.tile.s32 @!p0 $0x1;
	_ =	shalt  }
.Lfunc_end2:
_tile_overlayer_lowered:
.L_overlay_start_2:
0xe0: {  	(tag) =	ssettag $0x2  }
0xe1: {  	s0 =	rddreg [dreg:$0x0];
	s2 =	stileid.u32  }
0xe2: {  	s1 =	rddreg [dreg:$0x1];
	p0 =	sne.s32 s2, $0x0  }
0xe3: {  	s3 =	rddreg [dreg:$0x2];
	[bflag:$0x3] =	sbarrier.arrive $0xFFFF;
	s2 =	simm.s32 @!p0 $0x1C03  }
0xe4: {  	[timem:s3], [sflag:s2] =	dma.local @!p0 [hbm:s0], s1  }
0xe5: {  	s0 =	simm.s32 @!p0 $0x3  }
0xe6: {  	_ =	swait.ge @!p0 [sflag:s0], s1  }
0xe7: {  	s1 =	ssub.s32 @!p0 $0x0, s1;
	[sflag:s0] =	ssyncset.done @!p0 $0x0  }
0xe8: {  	[sflag:s0] =	ssyncadd.s32 @!p0 s1  }
0xe9: {  	[bflag:$0x3] =	sbarrier.arrive $0xFFFF  }
0xea: {  	_ =	shalt  }

</sc_bundles>
